<compile_context>
chip_gen: v7x
topology: tpu7x:2x2x1
jax: 0.10.2.dev20260603
libtpu: 0.0.44.dev20260713+nightly
codegen_flags: <defaults>
</compile_context>

<pallas_src>
import functools

import jax
import jax.numpy as jnp
from jax import lax
from jax.experimental import pallas as pl
from jax.experimental.pallas import tpu as pltpu
from jax.experimental.pallas import tpu_sc as plsc

WINDOW = 512
STRIDE = 256
T = 32768
D = 256
OSZ = (T - WINDOW) // STRIDE + 1
NBLK = T // STRIDE
CHUNK = 128
CPB = STRIDE // CHUNK


def _make_sc_kernel():
  info = plsc.get_sparse_core_info()
  nc, ns = info.num_cores, info.num_subcores
  nw = nc * ns
  bpw = NBLK // nw
  nchunks = bpw * CPB

  mesh = plsc.VectorSubcoreMesh(core_axis_name="c", subcore_axis_name="s")

  @functools.partial(
      pl.kernel,
      mesh=mesh,
      out_type=jax.ShapeDtypeStruct((OSZ * WINDOW, D), jnp.float32),
      scratch_types=[
          pltpu.VMEM((CHUNK, D), jnp.float32),
          pltpu.VMEM((CHUNK, D), jnp.float32),
          pltpu.SemaphoreType.DMA,
          pltpu.SemaphoreType.DMA,
          pltpu.SemaphoreType.DMA,
          pltpu.SemaphoreType.DMA,
          pltpu.SemaphoreType.DMA,
          pltpu.SemaphoreType.DMA,
      ],
  )
  def body(in_hbm, out_hbm, buf0, buf1,
           in_s0, in_s1, a_s0, a_s1, b_s0, b_s1):
    wid = lax.axis_index("s") * nc + lax.axis_index("c")
    bufs = (buf0, buf1)
    in_sems = (in_s0, in_s1)
    a_sems = (a_s0, a_s1)
    b_sems = (b_s0, b_s1)

    def blk(c):
      return wid * bpw + c // CPB

    def in_copy(c, x):
      src = blk(c) * STRIDE + (c % CPB) * CHUNK
      return pltpu.make_async_copy(
          in_hbm.at[pl.ds(src, CHUNK)], bufs[x], in_sems[x])

    def out_a(c, x):
      dst = blk(c) * WINDOW + (c % CPB) * CHUNK
      return pltpu.make_async_copy(
          bufs[x], out_hbm.at[pl.ds(dst, CHUNK)], a_sems[x])

    def out_b(c, x):
      dst = (blk(c) - 1) * WINDOW + STRIDE + (c % CPB) * CHUNK
      return pltpu.make_async_copy(
          bufs[x], out_hbm.at[pl.ds(dst, CHUNK)], b_sems[x])

    in_copy(0, 0).start()
    for c in range(nchunks):
      x = c % 2
      y = (c + 1) % 2
      if c + 1 < nchunks:
        if c - 1 >= 0:
          @pl.when(blk(c - 1) <= OSZ - 1)
          def _():
            out_a(c - 1, y).wait()

          @pl.when(blk(c - 1) >= 1)
          def _():
            out_b(c - 1, y).wait()

        in_copy(c + 1, y).start()

      in_copy(c, x).wait()

      @pl.when(blk(c) <= OSZ - 1)
      def _():
        out_a(c, x).start()

      @pl.when(blk(c) >= 1)
      def _():
        out_b(c, x).start()

    for c in (nchunks - 2, nchunks - 1):
      x = c % 2

      @pl.when(blk(c) <= OSZ - 1)
      def _():
        out_a(c, x).wait()

      @pl.when(blk(c) >= 1)
      def _():
        out_b(c, x).wait()

  return body


_sc_unfold = _make_sc_kernel()


def kernel(input):
  flat = _sc_unfold(input)
  return flat.reshape(OSZ, WINDOW, D)

# --- scband reference (transcript-rebuilt; emitter-appended) ---
"""Pipeline reference for scband-sliding-window-24300924961617 (READ-ONLY COPY).

The authoritative reference and input builder live on the scoring server;
editing this copy changes nothing except your own understanding.
"""

import jax, jax.numpy as jnp
import numpy as np

WINDOW = 512
STRIDE = 256


def setup_inputs(seed: int = 0) -> dict:
    key = jax.random.key(seed)
    x = jax.random.normal(key, (32768, 256), dtype=jnp.float32)
    return {"input": x}


def reference(input):
    # osz = max(T - window, 0) // stride + 1
    osz = max(input.shape[0] - WINDOW, 0) // STRIDE + 1
    idx = STRIDE * jnp.arange(osz)[:, None] + jnp.arange(WINDOW)[None, :]
    # gather rows: output shape [osz, window, d]
    return input[idx]

if __name__ == "__main__":
    import jax
    _d = setup_inputs()
    print(jax.jit(kernel)(*tuple(_d.values())))

</pallas_src>

<mosaic_0001>
#map = affine_map<(d0, d1) -> (0, 0)>
module attributes {stable_mosaic.version = 14 : i64} {
  func.func @body(%arg0: i32, %arg1: i32, %arg2: memref<32768x256xf32, #tpu.memory_space<hbm>>, %arg3: memref<65024x256xf32, #tpu.memory_space<hbm>>, %arg4: memref<128x256xf32, #tpu.memory_space<vmem>>, %arg5: memref<128x256xf32, #tpu.memory_space<vmem>>, %arg6: memref<!tpu.dma_semaphore, #tpu.memory_space<semaphore_mem>>, %arg7: memref<!tpu.dma_semaphore, #tpu.memory_space<semaphore_mem>>, %arg8: memref<!tpu.dma_semaphore, #tpu.memory_space<semaphore_mem>>, %arg9: memref<!tpu.dma_semaphore, #tpu.memory_space<semaphore_mem>>, %arg10: memref<!tpu.dma_semaphore, #tpu.memory_space<semaphore_mem>>, %arg11: memref<!tpu.dma_semaphore, #tpu.memory_space<semaphore_mem>>) attributes {dimension_semantics = [#tpu.dimension_semantics<core_parallel>, #tpu.dimension_semantics<subcore_parallel>], iteration_bounds = array<i64: 2, 16>, scalar_prefetch = 0 : i64, scratch_operands = 8 : i64, tpu.core_type = #tpu.core_type<sc_vector_subcore>, window_params = [{transform_indices = #map}, {transform_indices = #map}]} {
    %mul3A = arith.constant 2 : i32
    %mul3A_0 = arith.muli %arg1, %mul3A : i32
    %add3A = arith.addi %mul3A_0, %arg0 : i32
    %mul3A_1 = arith.constant 4 : i32
    %mul3A_2 = arith.muli %add3A, %mul3A_1 : i32
    %add3A_3 = arith.constant 0 : i32
    %add3A_4 = arith.addi %mul3A_2, %add3A_3 : i32
    %mul3A_5 = arith.constant 256 : i32
    %mul3A_6 = arith.muli %add3A_4, %mul3A_5 : i32
    %add3A_7 = arith.constant 0 : i32
    %add3A_8 = arith.addi %mul3A_6, %add3A_7 : i32
    %dma_start3A = arith.constant 0 : i32
    %dma_start3A_9 = tpu.memref_slice %arg2[%add3A_8, %dma_start3A] : memref<32768x256xf32, #tpu.memory_space<hbm>> -> memref<128x256xf32, #tpu.memory_space<hbm>>
    %dma_start3A_10 = arith.constant 0 : i32
    %dma_start3A_11 = tpu.memref_slice %arg2[%add3A_8, %dma_start3A_10] : memref<32768x256xf32, #tpu.memory_space<hbm>> -> memref<128x256xf32, #tpu.memory_space<hbm>>
    tpu.enqueue_dma source(%dma_start3A_11 : memref<128x256xf32, #tpu.memory_space<hbm>>) target(%arg4 : memref<128x256xf32, #tpu.memory_space<vmem>>) target_semaphore(%arg6 : memref<!tpu.dma_semaphore, #tpu.memory_space<semaphore_mem>>)
    %mul3A_12 = arith.constant 4 : i32
    %mul3A_13 = arith.muli %add3A, %mul3A_12 : i32
    %add3A_14 = arith.constant 0 : i32
    %add3A_15 = arith.addi %mul3A_13, %add3A_14 : i32
    %mul3A_16 = arith.constant 256 : i32
    %mul3A_17 = arith.muli %add3A_15, %mul3A_16 : i32
    %add3A_18 = arith.constant 128 : i32
    %add3A_19 = arith.addi %mul3A_17, %add3A_18 : i32
    %dma_start3A_20 = arith.constant 0 : i32
    %dma_start3A_21 = tpu.memref_slice %arg2[%add3A_19, %dma_start3A_20] : memref<32768x256xf32, #tpu.memory_space<hbm>> -> memref<128x256xf32, #tpu.memory_space<hbm>>
    %dma_start3A_22 = arith.constant 0 : i32
    %dma_start3A_23 = tpu.memref_slice %arg2[%add3A_19, %dma_start3A_22] : memref<32768x256xf32, #tpu.memory_space<hbm>> -> memref<128x256xf32, #tpu.memory_space<hbm>>
    tpu.enqueue_dma source(%dma_start3A_23 : memref<128x256xf32, #tpu.memory_space<hbm>>) target(%arg5 : memref<128x256xf32, #tpu.memory_space<vmem>>) target_semaphore(%arg7 : memref<!tpu.dma_semaphore, #tpu.memory_space<semaphore_mem>>)
    %mul3A_24 = arith.constant 4 : i32
    %mul3A_25 = arith.muli %add3A, %mul3A_24 : i32
    %add3A_26 = arith.constant 0 : i32
    %add3A_27 = arith.addi %mul3A_25, %add3A_26 : i32
    %mul3A_28 = arith.constant 256 : i32
    %mul3A_29 = arith.muli %add3A_27, %mul3A_28 : i32
    %add3A_30 = arith.constant 0 : i32
    %add3A_31 = arith.addi %mul3A_29, %add3A_30 : i32
    %dma_wait3A = arith.constant 0 : i32
    %dma_wait3A_32 = tpu.memref_slice %arg2[%add3A_31, %dma_wait3A] : memref<32768x256xf32, #tpu.memory_space<hbm>> -> memref<128x256xf32, #tpu.memory_space<hbm>>
    %dma_wait3A_33 = arith.constant 0 : i32
    %dma_wait3A_34 = tpu.memref_slice %arg2[%add3A_31, %dma_wait3A_33] : memref<32768x256xf32, #tpu.memory_space<hbm>> -> memref<128x256xf32, #tpu.memory_space<hbm>>
    tpu.wait_dma2 semaphore(%arg6 : memref<!tpu.dma_semaphore, #tpu.memory_space<semaphore_mem>>) src(%dma_wait3A_34 : memref<128x256xf32, #tpu.memory_space<hbm>>) dst(%arg4 : memref<128x256xf32, #tpu.memory_space<vmem>>)
    %mul3A_35 = arith.constant 4 : i32
    %mul3A_36 = arith.muli %add3A, %mul3A_35 : i32
    %add3A_37 = arith.constant 0 : i32
    %add3A_38 = arith.addi %mul3A_36, %add3A_37 : i32
    %le3A = arith.constant 126 : i32
    %le3A_39 = arith.cmpi sle, %add3A_38, %le3A : i32
    %convert_element_type3A = arith.extui %le3A_39 : i1 to i32
    %cond3A = arith.constant 0 : i32
    %cond3A_40 = arith.cmpi ne, %convert_element_type3A, %cond3A : i32
    scf.if %cond3A_40 {
      %mul3A_475 = arith.constant 4 : i32
      %mul3A_476 = arith.muli %add3A, %mul3A_475 : i32
      %add3A_477 = arith.constant 0 : i32
      %add3A_478 = arith.addi %mul3A_476, %add3A_477 : i32
      %mul3A_479 = arith.constant 512 : i32
      %mul3A_480 = arith.muli %add3A_478, %mul3A_479 : i32
      %add3A_481 = arith.constant 0 : i32
      %add3A_482 = arith.addi %mul3A_480, %add3A_481 : i32
      %dma_start3A_483 = arith.constant 0 : i32
      %dma_start3A_484 = tpu.memref_slice %arg3[%add3A_482, %dma_start3A_483] : memref<65024x256xf32, #tpu.memory_space<hbm>> -> memref<128x256xf32, #tpu.memory_space<hbm>>
      %dma_start3A_485 = arith.constant 0 : i32
      %dma_start3A_486 = tpu.memref_slice %arg3[%add3A_482, %dma_start3A_485] : memref<65024x256xf32, #tpu.memory_space<hbm>> -> memref<128x256xf32, #tpu.memory_space<hbm>>
      tpu.enqueue_dma source(%arg4 : memref<128x256xf32, #tpu.memory_space<vmem>>) target(%dma_start3A_486 : memref<128x256xf32, #tpu.memory_space<hbm>>) target_semaphore(%arg8 : memref<!tpu.dma_semaphore, #tpu.memory_space<semaphore_mem>>)
    } else {
    }
    %mul3A_41 = arith.constant 4 : i32
    %mul3A_42 = arith.muli %add3A, %mul3A_41 : i32
    %add3A_43 = arith.constant 0 : i32
    %add3A_44 = arith.addi %mul3A_42, %add3A_43 : i32
    %ge3A = arith.constant 1 : i32
    %ge3A_45 = arith.cmpi sge, %add3A_44, %ge3A : i32
    %convert_element_type3A_46 = arith.extui %ge3A_45 : i1 to i32
    %cond3A_47 = arith.constant 0 : i32
    %cond3A_48 = arith.cmpi ne, %convert_element_type3A_46, %cond3A_47 : i32
    scf.if %cond3A_48 {
      %mul3A_475 = arith.constant 4 : i32
      %mul3A_476 = arith.muli %add3A, %mul3A_475 : i32
      %add3A_477 = arith.constant 0 : i32
      %add3A_478 = arith.addi %mul3A_476, %add3A_477 : i32
      %sub3A = arith.constant 1 : i32
      %sub3A_479 = arith.subi %add3A_478, %sub3A : i32
      %mul3A_480 = arith.constant 512 : i32
      %mul3A_481 = arith.muli %sub3A_479, %mul3A_480 : i32
      %add3A_482 = arith.constant 256 : i32
      %add3A_483 = arith.addi %mul3A_481, %add3A_482 : i32
      %add3A_484 = arith.constant 0 : i32
      %add3A_485 = arith.addi %add3A_483, %add3A_484 : i32
      %dma_start3A_486 = arith.constant 0 : i32
      %dma_start3A_487 = tpu.memref_slice %arg3[%add3A_485, %dma_start3A_486] : memref<65024x256xf32, #tpu.memory_space<hbm>> -> memref<128x256xf32, #tpu.memory_space<hbm>>
      %dma_start3A_488 = arith.constant 0 : i32
      %dma_start3A_489 = tpu.memref_slice %arg3[%add3A_485, %dma_start3A_488] : memref<65024x256xf32, #tpu.memory_space<hbm>> -> memref<128x256xf32, #tpu.memory_space<hbm>>
      tpu.enqueue_dma source(%arg4 : memref<128x256xf32, #tpu.memory_space<vmem>>) target(%dma_start3A_489 : memref<128x256xf32, #tpu.memory_space<hbm>>) target_semaphore(%arg10 : memref<!tpu.dma_semaphore, #tpu.memory_space<semaphore_mem>>)
    } else {
    }
    %mul3A_49 = arith.constant 4 : i32
    %mul3A_50 = arith.muli %add3A, %mul3A_49 : i32
    %add3A_51 = arith.constant 0 : i32
    %add3A_52 = arith.addi %mul3A_50, %add3A_51 : i32
    %le3A_53 = arith.constant 126 : i32
    %le3A_54 = arith.cmpi sle, %add3A_52, %le3A_53 : i32
    %convert_element_type3A_55 = arith.extui %le3A_54 : i1 to i32
    %cond3A_56 = arith.constant 0 : i32
    %cond3A_57 = arith.cmpi ne, %convert_element_type3A_55, %cond3A_56 : i32
    scf.if %cond3A_57 {
      %mul3A_475 = arith.constant 4 : i32
      %mul3A_476 = arith.muli %add3A, %mul3A_475 : i32
      %add3A_477 = arith.constant 0 : i32
      %add3A_478 = arith.addi %mul3A_476, %add3A_477 : i32
      %mul3A_479 = arith.constant 512 : i32
      %mul3A_480 = arith.muli %add3A_478, %mul3A_479 : i32
      %add3A_481 = arith.constant 0 : i32
      %add3A_482 = arith.addi %mul3A_480, %add3A_481 : i32
      %dma_wait3A_483 = arith.constant 0 : i32
      %dma_wait3A_484 = tpu.memref_slice %arg3[%add3A_482, %dma_wait3A_483] : memref<65024x256xf32, #tpu.memory_space<hbm>> -> memref<128x256xf32, #tpu.memory_space<hbm>>
      %dma_wait3A_485 = arith.constant 0 : i32
      %dma_wait3A_486 = tpu.memref_slice %arg3[%add3A_482, %dma_wait3A_485] : memref<65024x256xf32, #tpu.memory_space<hbm>> -> memref<128x256xf32, #tpu.memory_space<hbm>>
      tpu.wait_dma2 semaphore(%arg8 : memref<!tpu.dma_semaphore, #tpu.memory_space<semaphore_mem>>) src(%arg4 : memref<128x256xf32, #tpu.memory_space<vmem>>) dst(%dma_wait3A_486 : memref<128x256xf32, #tpu.memory_space<hbm>>)
    } else {
    }
    %mul3A_58 = arith.constant 4 : i32
    %mul3A_59 = arith.muli %add3A, %mul3A_58 : i32
    %add3A_60 = arith.constant 0 : i32
    %add3A_61 = arith.addi %mul3A_59, %add3A_60 : i32
    %ge3A_62 = arith.constant 1 : i32
    %ge3A_63 = arith.cmpi sge, %add3A_61, %ge3A_62 : i32
    %convert_element_type3A_64 = arith.extui %ge3A_63 : i1 to i32
    %cond3A_65 = arith.constant 0 : i32
    %cond3A_66 = arith.cmpi ne, %convert_element_type3A_64, %cond3A_65 : i32
    scf.if %cond3A_66 {
      %mul3A_475 = arith.constant 4 : i32
      %mul3A_476 = arith.muli %add3A, %mul3A_475 : i32
      %add3A_477 = arith.constant 0 : i32
      %add3A_478 = arith.addi %mul3A_476, %add3A_477 : i32
      %sub3A = arith.constant 1 : i32
      %sub3A_479 = arith.subi %add3A_478, %sub3A : i32
      %mul3A_480 = arith.constant 512 : i32
      %mul3A_481 = arith.muli %sub3A_479, %mul3A_480 : i32
      %add3A_482 = arith.constant 256 : i32
      %add3A_483 = arith.addi %mul3A_481, %add3A_482 : i32
      %add3A_484 = arith.constant 0 : i32
      %add3A_485 = arith.addi %add3A_483, %add3A_484 : i32
      %dma_wait3A_486 = arith.constant 0 : i32
      %dma_wait3A_487 = tpu.memref_slice %arg3[%add3A_485, %dma_wait3A_486] : memref<65024x256xf32, #tpu.memory_space<hbm>> -> memref<128x256xf32, #tpu.memory_space<hbm>>
      %dma_wait3A_488 = arith.constant 0 : i32
      %dma_wait3A_489 = tpu.memref_slice %arg3[%add3A_485, %dma_wait3A_488] : memref<65024x256xf32, #tpu.memory_space<hbm>> -> memref<128x256xf32, #tpu.memory_space<hbm>>
      tpu.wait_dma2 semaphore(%arg10 : memref<!tpu.dma_semaphore, #tpu.memory_space<semaphore_mem>>) src(%arg4 : memref<128x256xf32, #tpu.memory_space<vmem>>) dst(%dma_wait3A_489 : memref<128x256xf32, #tpu.memory_space<hbm>>)
    } else {
    }
    %mul3A_67 = arith.constant 4 : i32
    %mul3A_68 = arith.muli %add3A, %mul3A_67 : i32
    %add3A_69 = arith.constant 1 : i32
    %add3A_70 = arith.addi %mul3A_68, %add3A_69 : i32
    %mul3A_71 = arith.constant 256 : i32
    %mul3A_72 = arith.muli %add3A_70, %mul3A_71 : i32
    %add3A_73 = arith.constant 0 : i32
    %add3A_74 = arith.addi %mul3A_72, %add3A_73 : i32
    %dma_start3A_75 = arith.constant 0 : i32
    %dma_start3A_76 = tpu.memref_slice %arg2[%add3A_74, %dma_start3A_75] : memref<32768x256xf32, #tpu.memory_space<hbm>> -> memref<128x256xf32, #tpu.memory_space<hbm>>
    %dma_start3A_77 = arith.constant 0 : i32
    %dma_start3A_78 = tpu.memref_slice %arg2[%add3A_74, %dma_start3A_77] : memref<32768x256xf32, #tpu.memory_space<hbm>> -> memref<128x256xf32, #tpu.memory_space<hbm>>
    tpu.enqueue_dma source(%dma_start3A_78 : memref<128x256xf32, #tpu.memory_space<hbm>>) target(%arg4 : memref<128x256xf32, #tpu.memory_space<vmem>>) target_semaphore(%arg6 : memref<!tpu.dma_semaphore, #tpu.memory_space<semaphore_mem>>)
    %mul3A_79 = arith.constant 4 : i32
    %mul3A_80 = arith.muli %add3A, %mul3A_79 : i32
    %add3A_81 = arith.constant 0 : i32
    %add3A_82 = arith.addi %mul3A_80, %add3A_81 : i32
    %mul3A_83 = arith.constant 256 : i32
    %mul3A_84 = arith.muli %add3A_82, %mul3A_83 : i32
    %add3A_85 = arith.constant 128 : i32
    %add3A_86 = arith.addi %mul3A_84, %add3A_85 : i32
    %dma_wait3A_87 = arith.constant 0 : i32
    %dma_wait3A_88 = tpu.memref_slice %arg2[%add3A_86, %dma_wait3A_87] : memref<32768x256xf32, #tpu.memory_space<hbm>> -> memref<128x256xf32, #tpu.memory_space<hbm>>
    %dma_wait3A_89 = arith.constant 0 : i32
    %dma_wait3A_90 = tpu.memref_slice %arg2[%add3A_86, %dma_wait3A_89] : memref<32768x256xf32, #tpu.memory_space<hbm>> -> memref<128x256xf32, #tpu.memory_space<hbm>>
    tpu.wait_dma2 semaphore(%arg7 : memref<!tpu.dma_semaphore, #tpu.memory_space<semaphore_mem>>) src(%dma_wait3A_90 : memref<128x256xf32, #tpu.memory_space<hbm>>) dst(%arg5 : memref<128x256xf32, #tpu.memory_space<vmem>>)
    %mul3A_91 = arith.constant 4 : i32
    %mul3A_92 = arith.muli %add3A, %mul3A_91 : i32
    %add3A_93 = arith.constant 0 : i32
    %add3A_94 = arith.addi %mul3A_92, %add3A_93 : i32
    %le3A_95 = arith.constant 126 : i32
    %le3A_96 = arith.cmpi sle, %add3A_94, %le3A_95 : i32
    %convert_element_type3A_97 = arith.extui %le3A_96 : i1 to i32
    %cond3A_98 = arith.constant 0 : i32
    %cond3A_99 = arith.cmpi ne, %convert_element_type3A_97, %cond3A_98 : i32
    scf.if %cond3A_99 {
      %mul3A_475 = arith.constant 4 : i32
      %mul3A_476 = arith.muli %add3A, %mul3A_475 : i32
      %add3A_477 = arith.constant 0 : i32
      %add3A_478 = arith.addi %mul3A_476, %add3A_477 : i32
      %mul3A_479 = arith.constant 512 : i32
      %mul3A_480 = arith.muli %add3A_478, %mul3A_479 : i32
      %add3A_481 = arith.constant 128 : i32
      %add3A_482 = arith.addi %mul3A_480, %add3A_481 : i32
      %dma_start3A_483 = arith.constant 0 : i32
      %dma_start3A_484 = tpu.memref_slice %arg3[%add3A_482, %dma_start3A_483] : memref<65024x256xf32, #tpu.memory_space<hbm>> -> memref<128x256xf32, #tpu.memory_space<hbm>>
      %dma_start3A_485 = arith.constant 0 : i32
      %dma_start3A_486 = tpu.memref_slice %arg3[%add3A_482, %dma_start3A_485] : memref<65024x256xf32, #tpu.memory_space<hbm>> -> memref<128x256xf32, #tpu.memory_space<hbm>>
      tpu.enqueue_dma source(%arg5 : memref<128x256xf32, #tpu.memory_space<vmem>>) target(%dma_start3A_486 : memref<128x256xf32, #tpu.memory_space<hbm>>) target_semaphore(%arg9 : memref<!tpu.dma_semaphore, #tpu.memory_space<semaphore_mem>>)
    } else {
    }
    %mul3A_100 = arith.constant 4 : i32
    %mul3A_101 = arith.muli %add3A, %mul3A_100 : i32
    %add3A_102 = arith.constant 0 : i32
    %add3A_103 = arith.addi %mul3A_101, %add3A_102 : i32
    %ge3A_104 = arith.constant 1 : i32
    %ge3A_105 = arith.cmpi sge, %add3A_103, %ge3A_104 : i32
    %convert_element_type3A_106 = arith.extui %ge3A_105 : i1 to i32
    %cond3A_107 = arith.constant 0 : i32
    %cond3A_108 = arith.cmpi ne, %convert_element_type3A_106, %cond3A_107 : i32
    scf.if %cond3A_108 {
      %mul3A_475 = arith.constant 4 : i32
      %mul3A_476 = arith.muli %add3A, %mul3A_475 : i32
      %add3A_477 = arith.constant 0 : i32
      %add3A_478 = arith.addi %mul3A_476, %add3A_477 : i32
      %sub3A = arith.constant 1 : i32
      %sub3A_479 = arith.subi %add3A_478, %sub3A : i32
      %mul3A_480 = arith.constant 512 : i32
      %mul3A_481 = arith.muli %sub3A_479, %mul3A_480 : i32
      %add3A_482 = arith.constant 256 : i32
      %add3A_483 = arith.addi %mul3A_481, %add3A_482 : i32
      %add3A_484 = arith.constant 128 : i32
      %add3A_485 = arith.addi %add3A_483, %add3A_484 : i32
      %dma_start3A_486 = arith.constant 0 : i32
      %dma_start3A_487 = tpu.memref_slice %arg3[%add3A_485, %dma_start3A_486] : memref<65024x256xf32, #tpu.memory_space<hbm>> -> memref<128x256xf32, #tpu.memory_space<hbm>>
      %dma_start3A_488 = arith.constant 0 : i32
      %dma_start3A_489 = tpu.memref_slice %arg3[%add3A_485, %dma_start3A_488] : memref<65024x256xf32, #tpu.memory_space<hbm>> -> memref<128x256xf32, #tpu.memory_space<hbm>>
      tpu.enqueue_dma source(%arg5 : memref<128x256xf32, #tpu.memory_space<vmem>>) target(%dma_start3A_489 : memref<128x256xf32, #tpu.memory_space<hbm>>) target_semaphore(%arg11 : memref<!tpu.dma_semaphore, #tpu.memory_space<semaphore_mem>>)
    } else {
    }
    %mul3A_109 = arith.constant 4 : i32
    %mul3A_110 = arith.muli %add3A, %mul3A_109 : i32
    %add3A_111 = arith.constant 0 : i32
    %add3A_112 = arith.addi %mul3A_110, %add3A_111 : i32
    %le3A_113 = arith.constant 126 : i32
    %le3A_114 = arith.cmpi sle, %add3A_112, %le3A_113 : i32
    %convert_element_type3A_115 = arith.extui %le3A_114 : i1 to i32
    %cond3A_116 = arith.constant 0 : i32
    %cond3A_117 = arith.cmpi ne, %convert_element_type3A_115, %cond3A_116 : i32
    scf.if %cond3A_117 {
      %mul3A_475 = arith.constant 4 : i32
      %mul3A_476 = arith.muli %add3A, %mul3A_475 : i32
      %add3A_477 = arith.constant 0 : i32
      %add3A_478 = arith.addi %mul3A_476, %add3A_477 : i32
      %mul3A_479 = arith.constant 512 : i32
      %mul3A_480 = arith.muli %add3A_478, %mul3A_479 : i32
      %add3A_481 = arith.constant 128 : i32
      %add3A_482 = arith.addi %mul3A_480, %add3A_481 : i32
      %dma_wait3A_483 = arith.constant 0 : i32
      %dma_wait3A_484 = tpu.memref_slice %arg3[%add3A_482, %dma_wait3A_483] : memref<65024x256xf32, #tpu.memory_space<hbm>> -> memref<128x256xf32, #tpu.memory_space<hbm>>
      %dma_wait3A_485 = arith.constant 0 : i32
      %dma_wait3A_486 = tpu.memref_slice %arg3[%add3A_482, %dma_wait3A_485] : memref<65024x256xf32, #tpu.memory_space<hbm>> -> memref<128x256xf32, #tpu.memory_space<hbm>>
      tpu.wait_dma2 semaphore(%arg9 : memref<!tpu.dma_semaphore, #tpu.memory_space<semaphore_mem>>) src(%arg5 : memref<128x256xf32, #tpu.memory_space<vmem>>) dst(%dma_wait3A_486 : memref<128x256xf32, #tpu.memory_space<hbm>>)
    } else {
    }
    %mul3A_118 = arith.constant 4 : i32
    %mul3A_119 = arith.muli %add3A, %mul3A_118 : i32
    %add3A_120 = arith.constant 0 : i32
    %add3A_121 = arith.addi %mul3A_119, %add3A_120 : i32
    %ge3A_122 = arith.constant 1 : i32
    %ge3A_123 = arith.cmpi sge, %add3A_121, %ge3A_122 : i32
    %convert_element_type3A_124 = arith.extui %ge3A_123 : i1 to i32
    %cond3A_125 = arith.constant 0 : i32
    %cond3A_126 = arith.cmpi ne, %convert_element_type3A_124, %cond3A_125 : i32
    scf.if %cond3A_126 {
      %mul3A_475 = arith.constant 4 : i32
      %mul3A_476 = arith.muli %add3A, %mul3A_475 : i32
      %add3A_477 = arith.constant 0 : i32
      %add3A_478 = arith.addi %mul3A_476, %add3A_477 : i32
      %sub3A = arith.constant 1 : i32
      %sub3A_479 = arith.subi %add3A_478, %sub3A : i32
      %mul3A_480 = arith.constant 512 : i32
      %mul3A_481 = arith.muli %sub3A_479, %mul3A_480 : i32
      %add3A_482 = arith.constant 256 : i32
      %add3A_483 = arith.addi %mul3A_481, %add3A_482 : i32
      %add3A_484 = arith.constant 128 : i32
      %add3A_485 = arith.addi %add3A_483, %add3A_484 : i32
      %dma_wait3A_486 = arith.constant 0 : i32
      %dma_wait3A_487 = tpu.memref_slice %arg3[%add3A_485, %dma_wait3A_486] : memref<65024x256xf32, #tpu.memory_space<hbm>> -> memref<128x256xf32, #tpu.memory_space<hbm>>
      %dma_wait3A_488 = arith.constant 0 : i32
      %dma_wait3A_489 = tpu.memref_slice %arg3[%add3A_485, %dma_wait3A_488] : memref<65024x256xf32, #tpu.memory_space<hbm>> -> memref<128x256xf32, #tpu.memory_space<hbm>>
      tpu.wait_dma2 semaphore(%arg11 : memref<!tpu.dma_semaphore, #tpu.memory_space<semaphore_mem>>) src(%arg5 : memref<128x256xf32, #tpu.memory_space<vmem>>) dst(%dma_wait3A_489 : memref<128x256xf32, #tpu.memory_space<hbm>>)
    } else {
    }
    %mul3A_127 = arith.constant 4 : i32
    %mul3A_128 = arith.muli %add3A, %mul3A_127 : i32
    %add3A_129 = arith.constant 1 : i32
    %add3A_130 = arith.addi %mul3A_128, %add3A_129 : i32
    %mul3A_131 = arith.constant 256 : i32
    %mul3A_132 = arith.muli %add3A_130, %mul3A_131 : i32
    %add3A_133 = arith.constant 128 : i32
    %add3A_134 = arith.addi %mul3A_132, %add3A_133 : i32
    %dma_start3A_135 = arith.constant 0 : i32
    %dma_start3A_136 = tpu.memref_slice %arg2[%add3A_134, %dma_start3A_135] : memref<32768x256xf32, #tpu.memory_space<hbm>> -> memref<128x256xf32, #tpu.memory_space<hbm>>
    %dma_start3A_137 = arith.constant 0 : i32
    %dma_start3A_138 = tpu.memref_slice %arg2[%add3A_134, %dma_start3A_137] : memref<32768x256xf32, #tpu.memory_space<hbm>> -> memref<128x256xf32, #tpu.memory_space<hbm>>
    tpu.enqueue_dma source(%dma_start3A_138 : memref<128x256xf32, #tpu.memory_space<hbm>>) target(%arg5 : memref<128x256xf32, #tpu.memory_space<vmem>>) target_semaphore(%arg7 : memref<!tpu.dma_semaphore, #tpu.memory_space<semaphore_mem>>)
    %mul3A_139 = arith.constant 4 : i32
    %mul3A_140 = arith.muli %add3A, %mul3A_139 : i32
    %add3A_141 = arith.constant 1 : i32
    %add3A_142 = arith.addi %mul3A_140, %add3A_141 : i32
    %mul3A_143 = arith.constant 256 : i32
    %mul3A_144 = arith.muli %add3A_142, %mul3A_143 : i32
    %add3A_145 = arith.constant 0 : i32
    %add3A_146 = arith.addi %mul3A_144, %add3A_145 : i32
    %dma_wait3A_147 = arith.constant 0 : i32
    %dma_wait3A_148 = tpu.memref_slice %arg2[%add3A_146, %dma_wait3A_147] : memref<32768x256xf32, #tpu.memory_space<hbm>> -> memref<128x256xf32, #tpu.memory_space<hbm>>
    %dma_wait3A_149 = arith.constant 0 : i32
    %dma_wait3A_150 = tpu.memref_slice %arg2[%add3A_146, %dma_wait3A_149] : memref<32768x256xf32, #tpu.memory_space<hbm>> -> memref<128x256xf32, #tpu.memory_space<hbm>>
    tpu.wait_dma2 semaphore(%arg6 : memref<!tpu.dma_semaphore, #tpu.memory_space<semaphore_mem>>) src(%dma_wait3A_150 : memref<128x256xf32, #tpu.memory_space<hbm>>) dst(%arg4 : memref<128x256xf32, #tpu.memory_space<vmem>>)
    %mul3A_151 = arith.constant 4 : i32
    %mul3A_152 = arith.muli %add3A, %mul3A_151 : i32
    %add3A_153 = arith.constant 1 : i32
    %add3A_154 = arith.addi %mul3A_152, %add3A_153 : i32
    %le3A_155 = arith.constant 126 : i32
    %le3A_156 = arith.cmpi sle, %add3A_154, %le3A_155 : i32
    %convert_element_type3A_157 = arith.extui %le3A_156 : i1 to i32
    %cond3A_158 = arith.constant 0 : i32
    %cond3A_159 = arith.cmpi ne, %convert_element_type3A_157, %cond3A_158 : i32
    scf.if %cond3A_159 {
      %mul3A_475 = arith.constant 4 : i32
      %mul3A_476 = arith.muli %add3A, %mul3A_475 : i32
      %add3A_477 = arith.constant 1 : i32
      %add3A_478 = arith.addi %mul3A_476, %add3A_477 : i32
      %mul3A_479 = arith.constant 512 : i32
      %mul3A_480 = arith.muli %add3A_478, %mul3A_479 : i32
      %add3A_481 = arith.constant 0 : i32
      %add3A_482 = arith.addi %mul3A_480, %add3A_481 : i32
      %dma_start3A_483 = arith.constant 0 : i32
      %dma_start3A_484 = tpu.memref_slice %arg3[%add3A_482, %dma_start3A_483] : memref<65024x256xf32, #tpu.memory_space<hbm>> -> memref<128x256xf32, #tpu.memory_space<hbm>>
      %dma_start3A_485 = arith.constant 0 : i32
      %dma_start3A_486 = tpu.memref_slice %arg3[%add3A_482, %dma_start3A_485] : memref<65024x256xf32, #tpu.memory_space<hbm>> -> memref<128x256xf32, #tpu.memory_space<hbm>>
      tpu.enqueue_dma source(%arg4 : memref<128x256xf32, #tpu.memory_space<vmem>>) target(%dma_start3A_486 : memref<128x256xf32, #tpu.memory_space<hbm>>) target_semaphore(%arg8 : memref<!tpu.dma_semaphore, #tpu.memory_space<semaphore_mem>>)
    } else {
    }
    %mul3A_160 = arith.constant 4 : i32
    %mul3A_161 = arith.muli %add3A, %mul3A_160 : i32
    %add3A_162 = arith.constant 1 : i32
    %add3A_163 = arith.addi %mul3A_161, %add3A_162 : i32
    %ge3A_164 = arith.constant 1 : i32
    %ge3A_165 = arith.cmpi sge, %add3A_163, %ge3A_164 : i32
    %convert_element_type3A_166 = arith.extui %ge3A_165 : i1 to i32
    %cond3A_167 = arith.constant 0 : i32
    %cond3A_168 = arith.cmpi ne, %convert_element_type3A_166, %cond3A_167 : i32
    scf.if %cond3A_168 {
      %mul3A_475 = arith.constant 4 : i32
      %mul3A_476 = arith.muli %add3A, %mul3A_475 : i32
      %add3A_477 = arith.constant 1 : i32
      %add3A_478 = arith.addi %mul3A_476, %add3A_477 : i32
      %sub3A = arith.constant 1 : i32
      %sub3A_479 = arith.subi %add3A_478, %sub3A : i32
      %mul3A_480 = arith.constant 512 : i32
      %mul3A_481 = arith.muli %sub3A_479, %mul3A_480 : i32
      %add3A_482 = arith.constant 256 : i32
      %add3A_483 = arith.addi %mul3A_481, %add3A_482 : i32
      %add3A_484 = arith.constant 0 : i32
      %add3A_485 = arith.addi %add3A_483, %add3A_484 : i32
      %dma_start3A_486 = arith.constant 0 : i32
      %dma_start3A_487 = tpu.memref_slice %arg3[%add3A_485, %dma_start3A_486] : memref<65024x256xf32, #tpu.memory_space<hbm>> -> memref<128x256xf32, #tpu.memory_space<hbm>>
      %dma_start3A_488 = arith.constant 0 : i32
      %dma_start3A_489 = tpu.memref_slice %arg3[%add3A_485, %dma_start3A_488] : memref<65024x256xf32, #tpu.memory_space<hbm>> -> memref<128x256xf32, #tpu.memory_space<hbm>>
      tpu.enqueue_dma source(%arg4 : memref<128x256xf32, #tpu.memory_space<vmem>>) target(%dma_start3A_489 : memref<128x256xf32, #tpu.memory_space<hbm>>) target_semaphore(%arg10 : memref<!tpu.dma_semaphore, #tpu.memory_space<semaphore_mem>>)
    } else {
    }
    %mul3A_169 = arith.constant 4 : i32
    %mul3A_170 = arith.muli %add3A, %mul3A_169 : i32
    %add3A_171 = arith.constant 1 : i32
    %add3A_172 = arith.addi %mul3A_170, %add3A_171 : i32
    %le3A_173 = arith.constant 126 : i32
    %le3A_174 = arith.cmpi sle, %add3A_172, %le3A_173 : i32
    %convert_element_type3A_175 = arith.extui %le3A_174 : i1 to i32
    %cond3A_176 = arith.constant 0 : i32
    %cond3A_177 = arith.cmpi ne, %convert_element_type3A_175, %cond3A_176 : i32
    scf.if %cond3A_177 {
      %mul3A_475 = arith.constant 4 : i32
      %mul3A_476 = arith.muli %add3A, %mul3A_475 : i32
      %add3A_477 = arith.constant 1 : i32
      %add3A_478 = arith.addi %mul3A_476, %add3A_477 : i32
      %mul3A_479 = arith.constant 512 : i32
      %mul3A_480 = arith.muli %add3A_478, %mul3A_479 : i32
      %add3A_481 = arith.constant 0 : i32
      %add3A_482 = arith.addi %mul3A_480, %add3A_481 : i32
      %dma_wait3A_483 = arith.constant 0 : i32
      %dma_wait3A_484 = tpu.memref_slice %arg3[%add3A_482, %dma_wait3A_483] : memref<65024x256xf32, #tpu.memory_space<hbm>> -> memref<128x256xf32, #tpu.memory_space<hbm>>
      %dma_wait3A_485 = arith.constant 0 : i32
      %dma_wait3A_486 = tpu.memref_slice %arg3[%add3A_482, %dma_wait3A_485] : memref<65024x256xf32, #tpu.memory_space<hbm>> -> memref<128x256xf32, #tpu.memory_space<hbm>>
      tpu.wait_dma2 semaphore(%arg8 : memref<!tpu.dma_semaphore, #tpu.memory_space<semaphore_mem>>) src(%arg4 : memref<128x256xf32, #tpu.memory_space<vmem>>) dst(%dma_wait3A_486 : memref<128x256xf32, #tpu.memory_space<hbm>>)
    } else {
    }
    %mul3A_178 = arith.constant 4 : i32
    %mul3A_179 = arith.muli %add3A, %mul3A_178 : i32
    %add3A_180 = arith.constant 1 : i32
    %add3A_181 = arith.addi %mul3A_179, %add3A_180 : i32
    %ge3A_182 = arith.constant 1 : i32
    %ge3A_183 = arith.cmpi sge, %add3A_181, %ge3A_182 : i32
    %convert_element_type3A_184 = arith.extui %ge3A_183 : i1 to i32
    %cond3A_185 = arith.constant 0 : i32
    %cond3A_186 = arith.cmpi ne, %convert_element_type3A_184, %cond3A_185 : i32
    scf.if %cond3A_186 {
      %mul3A_475 = arith.constant 4 : i32
      %mul3A_476 = arith.muli %add3A, %mul3A_475 : i32
      %add3A_477 = arith.constant 1 : i32
      %add3A_478 = arith.addi %mul3A_476, %add3A_477 : i32
      %sub3A = arith.constant 1 : i32
      %sub3A_479 = arith.subi %add3A_478, %sub3A : i32
      %mul3A_480 = arith.constant 512 : i32
      %mul3A_481 = arith.muli %sub3A_479, %mul3A_480 : i32
      %add3A_482 = arith.constant 256 : i32
      %add3A_483 = arith.addi %mul3A_481, %add3A_482 : i32
      %add3A_484 = arith.constant 0 : i32
      %add3A_485 = arith.addi %add3A_483, %add3A_484 : i32
      %dma_wait3A_486 = arith.constant 0 : i32
      %dma_wait3A_487 = tpu.memref_slice %arg3[%add3A_485, %dma_wait3A_486] : memref<65024x256xf32, #tpu.memory_space<hbm>> -> memref<128x256xf32, #tpu.memory_space<hbm>>
      %dma_wait3A_488 = arith.constant 0 : i32
      %dma_wait3A_489 = tpu.memref_slice %arg3[%add3A_485, %dma_wait3A_488] : memref<65024x256xf32, #tpu.memory_space<hbm>> -> memref<128x256xf32, #tpu.memory_space<hbm>>
      tpu.wait_dma2 semaphore(%arg10 : memref<!tpu.dma_semaphore, #tpu.memory_space<semaphore_mem>>) src(%arg4 : memref<128x256xf32, #tpu.memory_space<vmem>>) dst(%dma_wait3A_489 : memref<128x256xf32, #tpu.memory_space<hbm>>)
    } else {
    }
    %mul3A_187 = arith.constant 4 : i32
    %mul3A_188 = arith.muli %add3A, %mul3A_187 : i32
    %add3A_189 = arith.constant 2 : i32
    %add3A_190 = arith.addi %mul3A_188, %add3A_189 : i32
    %mul3A_191 = arith.constant 256 : i32
    %mul3A_192 = arith.muli %add3A_190, %mul3A_191 : i32
    %add3A_193 = arith.constant 0 : i32
    %add3A_194 = arith.addi %mul3A_192, %add3A_193 : i32
    %dma_start3A_195 = arith.constant 0 : i32
    %dma_start3A_196 = tpu.memref_slice %arg2[%add3A_194, %dma_start3A_195] : memref<32768x256xf32, #tpu.memory_space<hbm>> -> memref<128x256xf32, #tpu.memory_space<hbm>>
    %dma_start3A_197 = arith.constant 0 : i32
    %dma_start3A_198 = tpu.memref_slice %arg2[%add3A_194, %dma_start3A_197] : memref<32768x256xf32, #tpu.memory_space<hbm>> -> memref<128x256xf32, #tpu.memory_space<hbm>>
    tpu.enqueue_dma source(%dma_start3A_198 : memref<128x256xf32, #tpu.memory_space<hbm>>) target(%arg4 : memref<128x256xf32, #tpu.memory_space<vmem>>) target_semaphore(%arg6 : memref<!tpu.dma_semaphore, #tpu.memory_space<semaphore_mem>>)
    %mul3A_199 = arith.constant 4 : i32
    %mul3A_200 = arith.muli %add3A, %mul3A_199 : i32
    %add3A_201 = arith.constant 1 : i32
    %add3A_202 = arith.addi %mul3A_200, %add3A_201 : i32
    %mul3A_203 = arith.constant 256 : i32
    %mul3A_204 = arith.muli %add3A_202, %mul3A_203 : i32
    %add3A_205 = arith.constant 128 : i32
    %add3A_206 = arith.addi %mul3A_204, %add3A_205 : i32
    %dma_wait3A_207 = arith.constant 0 : i32
    %dma_wait3A_208 = tpu.memref_slice %arg2[%add3A_206, %dma_wait3A_207] : memref<32768x256xf32, #tpu.memory_space<hbm>> -> memref<128x256xf32, #tpu.memory_space<hbm>>
    %dma_wait3A_209 = arith.constant 0 : i32
    %dma_wait3A_210 = tpu.memref_slice %arg2[%add3A_206, %dma_wait3A_209] : memref<32768x256xf32, #tpu.memory_space<hbm>> -> memref<128x256xf32, #tpu.memory_space<hbm>>
    tpu.wait_dma2 semaphore(%arg7 : memref<!tpu.dma_semaphore, #tpu.memory_space<semaphore_mem>>) src(%dma_wait3A_210 : memref<128x256xf32, #tpu.memory_space<hbm>>) dst(%arg5 : memref<128x256xf32, #tpu.memory_space<vmem>>)
    %mul3A_211 = arith.constant 4 : i32
    %mul3A_212 = arith.muli %add3A, %mul3A_211 : i32
    %add3A_213 = arith.constant 1 : i32
    %add3A_214 = arith.addi %mul3A_212, %add3A_213 : i32
    %le3A_215 = arith.constant 126 : i32
    %le3A_216 = arith.cmpi sle, %add3A_214, %le3A_215 : i32
    %convert_element_type3A_217 = arith.extui %le3A_216 : i1 to i32
    %cond3A_218 = arith.constant 0 : i32
    %cond3A_219 = arith.cmpi ne, %convert_element_type3A_217, %cond3A_218 : i32
    scf.if %cond3A_219 {
      %mul3A_475 = arith.constant 4 : i32
      %mul3A_476 = arith.muli %add3A, %mul3A_475 : i32
      %add3A_477 = arith.constant 1 : i32
      %add3A_478 = arith.addi %mul3A_476, %add3A_477 : i32
      %mul3A_479 = arith.constant 512 : i32
      %mul3A_480 = arith.muli %add3A_478, %mul3A_479 : i32
      %add3A_481 = arith.constant 128 : i32
      %add3A_482 = arith.addi %mul3A_480, %add3A_481 : i32
      %dma_start3A_483 = arith.constant 0 : i32
      %dma_start3A_484 = tpu.memref_slice %arg3[%add3A_482, %dma_start3A_483] : memref<65024x256xf32, #tpu.memory_space<hbm>> -> memref<128x256xf32, #tpu.memory_space<hbm>>
      %dma_start3A_485 = arith.constant 0 : i32
      %dma_start3A_486 = tpu.memref_slice %arg3[%add3A_482, %dma_start3A_485] : memref<65024x256xf32, #tpu.memory_space<hbm>> -> memref<128x256xf32, #tpu.memory_space<hbm>>
      tpu.enqueue_dma source(%arg5 : memref<128x256xf32, #tpu.memory_space<vmem>>) target(%dma_start3A_486 : memref<128x256xf32, #tpu.memory_space<hbm>>) target_semaphore(%arg9 : memref<!tpu.dma_semaphore, #tpu.memory_space<semaphore_mem>>)
    } else {
    }
    %mul3A_220 = arith.constant 4 : i32
    %mul3A_221 = arith.muli %add3A, %mul3A_220 : i32
    %add3A_222 = arith.constant 1 : i32
    %add3A_223 = arith.addi %mul3A_221, %add3A_222 : i32
    %ge3A_224 = arith.constant 1 : i32
    %ge3A_225 = arith.cmpi sge, %add3A_223, %ge3A_224 : i32
    %convert_element_type3A_226 = arith.extui %ge3A_225 : i1 to i32
    %cond3A_227 = arith.constant 0 : i32
    %cond3A_228 = arith.cmpi ne, %convert_element_type3A_226, %cond3A_227 : i32
    scf.if %cond3A_228 {
      %mul3A_475 = arith.constant 4 : i32
      %mul3A_476 = arith.muli %add3A, %mul3A_475 : i32
      %add3A_477 = arith.constant 1 : i32
      %add3A_478 = arith.addi %mul3A_476, %add3A_477 : i32
      %sub3A = arith.constant 1 : i32
      %sub3A_479 = arith.subi %add3A_478, %sub3A : i32
      %mul3A_480 = arith.constant 512 : i32
      %mul3A_481 = arith.muli %sub3A_479, %mul3A_480 : i32
      %add3A_482 = arith.constant 256 : i32
      %add3A_483 = arith.addi %mul3A_481, %add3A_482 : i32
      %add3A_484 = arith.constant 128 : i32
      %add3A_485 = arith.addi %add3A_483, %add3A_484 : i32
      %dma_start3A_486 = arith.constant 0 : i32
      %dma_start3A_487 = tpu.memref_slice %arg3[%add3A_485, %dma_start3A_486] : memref<65024x256xf32, #tpu.memory_space<hbm>> -> memref<128x256xf32, #tpu.memory_space<hbm>>
      %dma_start3A_488 = arith.constant 0 : i32
      %dma_start3A_489 = tpu.memref_slice %arg3[%add3A_485, %dma_start3A_488] : memref<65024x256xf32, #tpu.memory_space<hbm>> -> memref<128x256xf32, #tpu.memory_space<hbm>>
      tpu.enqueue_dma source(%arg5 : memref<128x256xf32, #tpu.memory_space<vmem>>) target(%dma_start3A_489 : memref<128x256xf32, #tpu.memory_space<hbm>>) target_semaphore(%arg11 : memref<!tpu.dma_semaphore, #tpu.memory_space<semaphore_mem>>)
    } else {
    }
    %mul3A_229 = arith.constant 4 : i32
    %mul3A_230 = arith.muli %add3A, %mul3A_229 : i32
    %add3A_231 = arith.constant 1 : i32
    %add3A_232 = arith.addi %mul3A_230, %add3A_231 : i32
    %le3A_233 = arith.constant 126 : i32
    %le3A_234 = arith.cmpi sle, %add3A_232, %le3A_233 : i32
    %convert_element_type3A_235 = arith.extui %le3A_234 : i1 to i32
    %cond3A_236 = arith.constant 0 : i32
    %cond3A_237 = arith.cmpi ne, %convert_element_type3A_235, %cond3A_236 : i32
    scf.if %cond3A_237 {
      %mul3A_475 = arith.constant 4 : i32
      %mul3A_476 = arith.muli %add3A, %mul3A_475 : i32
      %add3A_477 = arith.constant 1 : i32
      %add3A_478 = arith.addi %mul3A_476, %add3A_477 : i32
      %mul3A_479 = arith.constant 512 : i32
      %mul3A_480 = arith.muli %add3A_478, %mul3A_479 : i32
      %add3A_481 = arith.constant 128 : i32
      %add3A_482 = arith.addi %mul3A_480, %add3A_481 : i32
      %dma_wait3A_483 = arith.constant 0 : i32
      %dma_wait3A_484 = tpu.memref_slice %arg3[%add3A_482, %dma_wait3A_483] : memref<65024x256xf32, #tpu.memory_space<hbm>> -> memref<128x256xf32, #tpu.memory_space<hbm>>
      %dma_wait3A_485 = arith.constant 0 : i32
      %dma_wait3A_486 = tpu.memref_slice %arg3[%add3A_482, %dma_wait3A_485] : memref<65024x256xf32, #tpu.memory_space<hbm>> -> memref<128x256xf32, #tpu.memory_space<hbm>>
      tpu.wait_dma2 semaphore(%arg9 : memref<!tpu.dma_semaphore, #tpu.memory_space<semaphore_mem>>) src(%arg5 : memref<128x256xf32, #tpu.memory_space<vmem>>) dst(%dma_wait3A_486 : memref<128x256xf32, #tpu.memory_space<hbm>>)
    } else {
    }
    %mul3A_238 = arith.constant 4 : i32
    %mul3A_239 = arith.muli %add3A, %mul3A_238 : i32
    %add3A_240 = arith.constant 1 : i32
    %add3A_241 = arith.addi %mul3A_239, %add3A_240 : i32
    %ge3A_242 = arith.constant 1 : i32
    %ge3A_243 = arith.cmpi sge, %add3A_241, %ge3A_242 : i32
    %convert_element_type3A_244 = arith.extui %ge3A_243 : i1 to i32
    %cond3A_245 = arith.constant 0 : i32
    %cond3A_246 = arith.cmpi ne, %convert_element_type3A_244, %cond3A_245 : i32
    scf.if %cond3A_246 {
      %mul3A_475 = arith.constant 4 : i32
      %mul3A_476 = arith.muli %add3A, %mul3A_475 : i32
      %add3A_477 = arith.constant 1 : i32
      %add3A_478 = arith.addi %mul3A_476, %add3A_477 : i32
      %sub3A = arith.constant 1 : i32
      %sub3A_479 = arith.subi %add3A_478, %sub3A : i32
      %mul3A_480 = arith.constant 512 : i32
      %mul3A_481 = arith.muli %sub3A_479, %mul3A_480 : i32
      %add3A_482 = arith.constant 256 : i32
      %add3A_483 = arith.addi %mul3A_481, %add3A_482 : i32
      %add3A_484 = arith.constant 128 : i32
      %add3A_485 = arith.addi %add3A_483, %add3A_484 : i32
      %dma_wait3A_486 = arith.constant 0 : i32
      %dma_wait3A_487 = tpu.memref_slice %arg3[%add3A_485, %dma_wait3A_486] : memref<65024x256xf32, #tpu.memory_space<hbm>> -> memref<128x256xf32, #tpu.memory_space<hbm>>
      %dma_wait3A_488 = arith.constant 0 : i32
      %dma_wait3A_489 = tpu.memref_slice %arg3[%add3A_485, %dma_wait3A_488] : memref<65024x256xf32, #tpu.memory_space<hbm>> -> memref<128x256xf32, #tpu.memory_space<hbm>>
      tpu.wait_dma2 semaphore(%arg11 : memref<!tpu.dma_semaphore, #tpu.memory_space<semaphore_mem>>) src(%arg5 : memref<128x256xf32, #tpu.memory_space<vmem>>) dst(%dma_wait3A_489 : memref<128x256xf32, #tpu.memory_space<hbm>>)
    } else {
    }
    %mul3A_247 = arith.constant 4 : i32
    %mul3A_248 = arith.muli %add3A, %mul3A_247 : i32
    %add3A_249 = arith.constant 2 : i32
    %add3A_250 = arith.addi %mul3A_248, %add3A_249 : i32
    %mul3A_251 = arith.constant 256 : i32
    %mul3A_252 = arith.muli %add3A_250, %mul3A_251 : i32
    %add3A_253 = arith.constant 128 : i32
    %add3A_254 = arith.addi %mul3A_252, %add3A_253 : i32
    %dma_start3A_255 = arith.constant 0 : i32
    %dma_start3A_256 = tpu.memref_slice %arg2[%add3A_254, %dma_start3A_255] : memref<32768x256xf32, #tpu.memory_space<hbm>> -> memref<128x256xf32, #tpu.memory_space<hbm>>
    %dma_start3A_257 = arith.constant 0 : i32
    %dma_start3A_258 = tpu.memref_slice %arg2[%add3A_254, %dma_start3A_257] : memref<32768x256xf32, #tpu.memory_space<hbm>> -> memref<128x256xf32, #tpu.memory_space<hbm>>
    tpu.enqueue_dma source(%dma_start3A_258 : memref<128x256xf32, #tpu.memory_space<hbm>>) target(%arg5 : memref<128x256xf32, #tpu.memory_space<vmem>>) target_semaphore(%arg7 : memref<!tpu.dma_semaphore, #tpu.memory_space<semaphore_mem>>)
    %mul3A_259 = arith.constant 4 : i32
    %mul3A_260 = arith.muli %add3A, %mul3A_259 : i32
    %add3A_261 = arith.constant 2 : i32
    %add3A_262 = arith.addi %mul3A_260, %add3A_261 : i32
    %mul3A_263 = arith.constant 256 : i32
    %mul3A_264 = arith.muli %add3A_262, %mul3A_263 : i32
    %add3A_265 = arith.constant 0 : i32
    %add3A_266 = arith.addi %mul3A_264, %add3A_265 : i32
    %dma_wait3A_267 = arith.constant 0 : i32
    %dma_wait3A_268 = tpu.memref_slice %arg2[%add3A_266, %dma_wait3A_267] : memref<32768x256xf32, #tpu.memory_space<hbm>> -> memref<128x256xf32, #tpu.memory_space<hbm>>
    %dma_wait3A_269 = arith.constant 0 : i32
    %dma_wait3A_270 = tpu.memref_slice %arg2[%add3A_266, %dma_wait3A_269] : memref<32768x256xf32, #tpu.memory_space<hbm>> -> memref<128x256xf32, #tpu.memory_space<hbm>>
    tpu.wait_dma2 semaphore(%arg6 : memref<!tpu.dma_semaphore, #tpu.memory_space<semaphore_mem>>) src(%dma_wait3A_270 : memref<128x256xf32, #tpu.memory_space<hbm>>) dst(%arg4 : memref<128x256xf32, #tpu.memory_space<vmem>>)
    %mul3A_271 = arith.constant 4 : i32
    %mul3A_272 = arith.muli %add3A, %mul3A_271 : i32
    %add3A_273 = arith.constant 2 : i32
    %add3A_274 = arith.addi %mul3A_272, %add3A_273 : i32
    %le3A_275 = arith.constant 126 : i32
    %le3A_276 = arith.cmpi sle, %add3A_274, %le3A_275 : i32
    %convert_element_type3A_277 = arith.extui %le3A_276 : i1 to i32
    %cond3A_278 = arith.constant 0 : i32
    %cond3A_279 = arith.cmpi ne, %convert_element_type3A_277, %cond3A_278 : i32
    scf.if %cond3A_279 {
      %mul3A_475 = arith.constant 4 : i32
      %mul3A_476 = arith.muli %add3A, %mul3A_475 : i32
      %add3A_477 = arith.constant 2 : i32
      %add3A_478 = arith.addi %mul3A_476, %add3A_477 : i32
      %mul3A_479 = arith.constant 512 : i32
      %mul3A_480 = arith.muli %add3A_478, %mul3A_479 : i32
      %add3A_481 = arith.constant 0 : i32
      %add3A_482 = arith.addi %mul3A_480, %add3A_481 : i32
      %dma_start3A_483 = arith.constant 0 : i32
      %dma_start3A_484 = tpu.memref_slice %arg3[%add3A_482, %dma_start3A_483] : memref<65024x256xf32, #tpu.memory_space<hbm>> -> memref<128x256xf32, #tpu.memory_space<hbm>>
      %dma_start3A_485 = arith.constant 0 : i32
      %dma_start3A_486 = tpu.memref_slice %arg3[%add3A_482, %dma_start3A_485] : memref<65024x256xf32, #tpu.memory_space<hbm>> -> memref<128x256xf32, #tpu.memory_space<hbm>>
      tpu.enqueue_dma source(%arg4 : memref<128x256xf32, #tpu.memory_space<vmem>>) target(%dma_start3A_486 : memref<128x256xf32, #tpu.memory_space<hbm>>) target_semaphore(%arg8 : memref<!tpu.dma_semaphore, #tpu.memory_space<semaphore_mem>>)
    } else {
    }
    %mul3A_280 = arith.constant 4 : i32
    %mul3A_281 = arith.muli %add3A, %mul3A_280 : i32
    %add3A_282 = arith.constant 2 : i32
    %add3A_283 = arith.addi %mul3A_281, %add3A_282 : i32
    %ge3A_284 = arith.constant 1 : i32
    %ge3A_285 = arith.cmpi sge, %add3A_283, %ge3A_284 : i32
    %convert_element_type3A_286 = arith.extui %ge3A_285 : i1 to i32
    %cond3A_287 = arith.constant 0 : i32
    %cond3A_288 = arith.cmpi ne, %convert_element_type3A_286, %cond3A_287 : i32
    scf.if %cond3A_288 {
      %mul3A_475 = arith.constant 4 : i32
      %mul3A_476 = arith.muli %add3A, %mul3A_475 : i32
      %add3A_477 = arith.constant 2 : i32
      %add3A_478 = arith.addi %mul3A_476, %add3A_477 : i32
      %sub3A = arith.constant 1 : i32
      %sub3A_479 = arith.subi %add3A_478, %sub3A : i32
      %mul3A_480 = arith.constant 512 : i32
      %mul3A_481 = arith.muli %sub3A_479, %mul3A_480 : i32
      %add3A_482 = arith.constant 256 : i32
      %add3A_483 = arith.addi %mul3A_481, %add3A_482 : i32
      %add3A_484 = arith.constant 0 : i32
      %add3A_485 = arith.addi %add3A_483, %add3A_484 : i32
      %dma_start3A_486 = arith.constant 0 : i32
      %dma_start3A_487 = tpu.memref_slice %arg3[%add3A_485, %dma_start3A_486] : memref<65024x256xf32, #tpu.memory_space<hbm>> -> memref<128x256xf32, #tpu.memory_space<hbm>>
      %dma_start3A_488 = arith.constant 0 : i32
      %dma_start3A_489 = tpu.memref_slice %arg3[%add3A_485, %dma_start3A_488] : memref<65024x256xf32, #tpu.memory_space<hbm>> -> memref<128x256xf32, #tpu.memory_space<hbm>>
      tpu.enqueue_dma source(%arg4 : memref<128x256xf32, #tpu.memory_space<vmem>>) target(%dma_start3A_489 : memref<128x256xf32, #tpu.memory_space<hbm>>) target_semaphore(%arg10 : memref<!tpu.dma_semaphore, #tpu.memory_space<semaphore_mem>>)
    } else {
    }
    %mul3A_289 = arith.constant 4 : i32
    %mul3A_290 = arith.muli %add3A, %mul3A_289 : i32
    %add3A_291 = arith.constant 2 : i32
    %add3A_292 = arith.addi %mul3A_290, %add3A_291 : i32
    %le3A_293 = arith.constant 126 : i32
    %le3A_294 = arith.cmpi sle, %add3A_292, %le3A_293 : i32
    %convert_element_type3A_295 = arith.extui %le3A_294 : i1 to i32
    %cond3A_296 = arith.constant 0 : i32
    %cond3A_297 = arith.cmpi ne, %convert_element_type3A_295, %cond3A_296 : i32
    scf.if %cond3A_297 {
      %mul3A_475 = arith.constant 4 : i32
      %mul3A_476 = arith.muli %add3A, %mul3A_475 : i32
      %add3A_477 = arith.constant 2 : i32
      %add3A_478 = arith.addi %mul3A_476, %add3A_477 : i32
      %mul3A_479 = arith.constant 512 : i32
      %mul3A_480 = arith.muli %add3A_478, %mul3A_479 : i32
      %add3A_481 = arith.constant 0 : i32
      %add3A_482 = arith.addi %mul3A_480, %add3A_481 : i32
      %dma_wait3A_483 = arith.constant 0 : i32
      %dma_wait3A_484 = tpu.memref_slice %arg3[%add3A_482, %dma_wait3A_483] : memref<65024x256xf32, #tpu.memory_space<hbm>> -> memref<128x256xf32, #tpu.memory_space<hbm>>
      %dma_wait3A_485 = arith.constant 0 : i32
      %dma_wait3A_486 = tpu.memref_slice %arg3[%add3A_482, %dma_wait3A_485] : memref<65024x256xf32, #tpu.memory_space<hbm>> -> memref<128x256xf32, #tpu.memory_space<hbm>>
      tpu.wait_dma2 semaphore(%arg8 : memref<!tpu.dma_semaphore, #tpu.memory_space<semaphore_mem>>) src(%arg4 : memref<128x256xf32, #tpu.memory_space<vmem>>) dst(%dma_wait3A_486 : memref<128x256xf32, #tpu.memory_space<hbm>>)
    } else {
    }
    %mul3A_298 = arith.constant 4 : i32
    %mul3A_299 = arith.muli %add3A, %mul3A_298 : i32
    %add3A_300 = arith.constant 2 : i32
    %add3A_301 = arith.addi %mul3A_299, %add3A_300 : i32
    %ge3A_302 = arith.constant 1 : i32
    %ge3A_303 = arith.cmpi sge, %add3A_301, %ge3A_302 : i32
    %convert_element_type3A_304 = arith.extui %ge3A_303 : i1 to i32
    %cond3A_305 = arith.constant 0 : i32
    %cond3A_306 = arith.cmpi ne, %convert_element_type3A_304, %cond3A_305 : i32
    scf.if %cond3A_306 {
      %mul3A_475 = arith.constant 4 : i32
      %mul3A_476 = arith.muli %add3A, %mul3A_475 : i32
      %add3A_477 = arith.constant 2 : i32
      %add3A_478 = arith.addi %mul3A_476, %add3A_477 : i32
      %sub3A = arith.constant 1 : i32
      %sub3A_479 = arith.subi %add3A_478, %sub3A : i32
      %mul3A_480 = arith.constant 512 : i32
      %mul3A_481 = arith.muli %sub3A_479, %mul3A_480 : i32
      %add3A_482 = arith.constant 256 : i32
      %add3A_483 = arith.addi %mul3A_481, %add3A_482 : i32
      %add3A_484 = arith.constant 0 : i32
      %add3A_485 = arith.addi %add3A_483, %add3A_484 : i32
      %dma_wait3A_486 = arith.constant 0 : i32
      %dma_wait3A_487 = tpu.memref_slice %arg3[%add3A_485, %dma_wait3A_486] : memref<65024x256xf32, #tpu.memory_space<hbm>> -> memref<128x256xf32, #tpu.memory_space<hbm>>
      %dma_wait3A_488 = arith.constant 0 : i32
      %dma_wait3A_489 = tpu.memref_slice %arg3[%add3A_485, %dma_wait3A_488] : memref<65024x256xf32, #tpu.memory_space<hbm>> -> memref<128x256xf32, #tpu.memory_space<hbm>>
      tpu.wait_dma2 semaphore(%arg10 : memref<!tpu.dma_semaphore, #tpu.memory_space<semaphore_mem>>) src(%arg4 : memref<128x256xf32, #tpu.memory_space<vmem>>) dst(%dma_wait3A_489 : memref<128x256xf32, #tpu.memory_space<hbm>>)
    } else {
    }
    %mul3A_307 = arith.constant 4 : i32
    %mul3A_308 = arith.muli %add3A, %mul3A_307 : i32
    %add3A_309 = arith.constant 3 : i32
    %add3A_310 = arith.addi %mul3A_308, %add3A_309 : i32
    %mul3A_311 = arith.constant 256 : i32
    %mul3A_312 = arith.muli %add3A_310, %mul3A_311 : i32
    %add3A_313 = arith.constant 0 : i32
    %add3A_314 = arith.addi %mul3A_312, %add3A_313 : i32
    %dma_start3A_315 = arith.constant 0 : i32
    %dma_start3A_316 = tpu.memref_slice %arg2[%add3A_314, %dma_start3A_315] : memref<32768x256xf32, #tpu.memory_space<hbm>> -> memref<128x256xf32, #tpu.memory_space<hbm>>
    %dma_start3A_317 = arith.constant 0 : i32
    %dma_start3A_318 = tpu.memref_slice %arg2[%add3A_314, %dma_start3A_317] : memref<32768x256xf32, #tpu.memory_space<hbm>> -> memref<128x256xf32, #tpu.memory_space<hbm>>
    tpu.enqueue_dma source(%dma_start3A_318 : memref<128x256xf32, #tpu.memory_space<hbm>>) target(%arg4 : memref<128x256xf32, #tpu.memory_space<vmem>>) target_semaphore(%arg6 : memref<!tpu.dma_semaphore, #tpu.memory_space<semaphore_mem>>)
    %mul3A_319 = arith.constant 4 : i32
    %mul3A_320 = arith.muli %add3A, %mul3A_319 : i32
    %add3A_321 = arith.constant 2 : i32
    %add3A_322 = arith.addi %mul3A_320, %add3A_321 : i32
    %mul3A_323 = arith.constant 256 : i32
    %mul3A_324 = arith.muli %add3A_322, %mul3A_323 : i32
    %add3A_325 = arith.constant 128 : i32
    %add3A_326 = arith.addi %mul3A_324, %add3A_325 : i32
    %dma_wait3A_327 = arith.constant 0 : i32
    %dma_wait3A_328 = tpu.memref_slice %arg2[%add3A_326, %dma_wait3A_327] : memref<32768x256xf32, #tpu.memory_space<hbm>> -> memref<128x256xf32, #tpu.memory_space<hbm>>
    %dma_wait3A_329 = arith.constant 0 : i32
    %dma_wait3A_330 = tpu.memref_slice %arg2[%add3A_326, %dma_wait3A_329] : memref<32768x256xf32, #tpu.memory_space<hbm>> -> memref<128x256xf32, #tpu.memory_space<hbm>>
    tpu.wait_dma2 semaphore(%arg7 : memref<!tpu.dma_semaphore, #tpu.memory_space<semaphore_mem>>) src(%dma_wait3A_330 : memref<128x256xf32, #tpu.memory_space<hbm>>) dst(%arg5 : memref<128x256xf32, #tpu.memory_space<vmem>>)
    %mul3A_331 = arith.constant 4 : i32
    %mul3A_332 = arith.muli %add3A, %mul3A_331 : i32
    %add3A_333 = arith.constant 2 : i32
    %add3A_334 = arith.addi %mul3A_332, %add3A_333 : i32
    %le3A_335 = arith.constant 126 : i32
    %le3A_336 = arith.cmpi sle, %add3A_334, %le3A_335 : i32
    %convert_element_type3A_337 = arith.extui %le3A_336 : i1 to i32
    %cond3A_338 = arith.constant 0 : i32
    %cond3A_339 = arith.cmpi ne, %convert_element_type3A_337, %cond3A_338 : i32
    scf.if %cond3A_339 {
      %mul3A_475 = arith.constant 4 : i32
      %mul3A_476 = arith.muli %add3A, %mul3A_475 : i32
      %add3A_477 = arith.constant 2 : i32
      %add3A_478 = arith.addi %mul3A_476, %add3A_477 : i32
      %mul3A_479 = arith.constant 512 : i32
      %mul3A_480 = arith.muli %add3A_478, %mul3A_479 : i32
      %add3A_481 = arith.constant 128 : i32
      %add3A_482 = arith.addi %mul3A_480, %add3A_481 : i32
      %dma_start3A_483 = arith.constant 0 : i32
      %dma_start3A_484 = tpu.memref_slice %arg3[%add3A_482, %dma_start3A_483] : memref<65024x256xf32, #tpu.memory_space<hbm>> -> memref<128x256xf32, #tpu.memory_space<hbm>>
      %dma_start3A_485 = arith.constant 0 : i32
      %dma_start3A_486 = tpu.memref_slice %arg3[%add3A_482, %dma_start3A_485] : memref<65024x256xf32, #tpu.memory_space<hbm>> -> memref<128x256xf32, #tpu.memory_space<hbm>>
      tpu.enqueue_dma source(%arg5 : memref<128x256xf32, #tpu.memory_space<vmem>>) target(%dma_start3A_486 : memref<128x256xf32, #tpu.memory_space<hbm>>) target_semaphore(%arg9 : memref<!tpu.dma_semaphore, #tpu.memory_space<semaphore_mem>>)
    } else {
    }
    %mul3A_340 = arith.constant 4 : i32
    %mul3A_341 = arith.muli %add3A, %mul3A_340 : i32
    %add3A_342 = arith.constant 2 : i32
    %add3A_343 = arith.addi %mul3A_341, %add3A_342 : i32
    %ge3A_344 = arith.constant 1 : i32
    %ge3A_345 = arith.cmpi sge, %add3A_343, %ge3A_344 : i32
    %convert_element_type3A_346 = arith.extui %ge3A_345 : i1 to i32
    %cond3A_347 = arith.constant 0 : i32
    %cond3A_348 = arith.cmpi ne, %convert_element_type3A_346, %cond3A_347 : i32
    scf.if %cond3A_348 {
      %mul3A_475 = arith.constant 4 : i32
      %mul3A_476 = arith.muli %add3A, %mul3A_475 : i32
      %add3A_477 = arith.constant 2 : i32
      %add3A_478 = arith.addi %mul3A_476, %add3A_477 : i32
      %sub3A = arith.constant 1 : i32
      %sub3A_479 = arith.subi %add3A_478, %sub3A : i32
      %mul3A_480 = arith.constant 512 : i32
      %mul3A_481 = arith.muli %sub3A_479, %mul3A_480 : i32
      %add3A_482 = arith.constant 256 : i32
      %add3A_483 = arith.addi %mul3A_481, %add3A_482 : i32
      %add3A_484 = arith.constant 128 : i32
      %add3A_485 = arith.addi %add3A_483, %add3A_484 : i32
      %dma_start3A_486 = arith.constant 0 : i32
      %dma_start3A_487 = tpu.memref_slice %arg3[%add3A_485, %dma_start3A_486] : memref<65024x256xf32, #tpu.memory_space<hbm>> -> memref<128x256xf32, #tpu.memory_space<hbm>>
      %dma_start3A_488 = arith.constant 0 : i32
      %dma_start3A_489 = tpu.memref_slice %arg3[%add3A_485, %dma_start3A_488] : memref<65024x256xf32, #tpu.memory_space<hbm>> -> memref<128x256xf32, #tpu.memory_space<hbm>>
      tpu.enqueue_dma source(%arg5 : memref<128x256xf32, #tpu.memory_space<vmem>>) target(%dma_start3A_489 : memref<128x256xf32, #tpu.memory_space<hbm>>) target_semaphore(%arg11 : memref<!tpu.dma_semaphore, #tpu.memory_space<semaphore_mem>>)
    } else {
    }
    %mul3A_349 = arith.constant 4 : i32
    %mul3A_350 = arith.muli %add3A, %mul3A_349 : i32
    %add3A_351 = arith.constant 2 : i32
    %add3A_352 = arith.addi %mul3A_350, %add3A_351 : i32
    %le3A_353 = arith.constant 126 : i32
    %le3A_354 = arith.cmpi sle, %add3A_352, %le3A_353 : i32
    %convert_element_type3A_355 = arith.extui %le3A_354 : i1 to i32
    %cond3A_356 = arith.constant 0 : i32
    %cond3A_357 = arith.cmpi ne, %convert_element_type3A_355, %cond3A_356 : i32
    scf.if %cond3A_357 {
      %mul3A_475 = arith.constant 4 : i32
      %mul3A_476 = arith.muli %add3A, %mul3A_475 : i32
      %add3A_477 = arith.constant 2 : i32
      %add3A_478 = arith.addi %mul3A_476, %add3A_477 : i32
      %mul3A_479 = arith.constant 512 : i32
      %mul3A_480 = arith.muli %add3A_478, %mul3A_479 : i32
      %add3A_481 = arith.constant 128 : i32
      %add3A_482 = arith.addi %mul3A_480, %add3A_481 : i32
      %dma_wait3A_483 = arith.constant 0 : i32
      %dma_wait3A_484 = tpu.memref_slice %arg3[%add3A_482, %dma_wait3A_483] : memref<65024x256xf32, #tpu.memory_space<hbm>> -> memref<128x256xf32, #tpu.memory_space<hbm>>
      %dma_wait3A_485 = arith.constant 0 : i32
      %dma_wait3A_486 = tpu.memref_slice %arg3[%add3A_482, %dma_wait3A_485] : memref<65024x256xf32, #tpu.memory_space<hbm>> -> memref<128x256xf32, #tpu.memory_space<hbm>>
      tpu.wait_dma2 semaphore(%arg9 : memref<!tpu.dma_semaphore, #tpu.memory_space<semaphore_mem>>) src(%arg5 : memref<128x256xf32, #tpu.memory_space<vmem>>) dst(%dma_wait3A_486 : memref<128x256xf32, #tpu.memory_space<hbm>>)
    } else {
    }
    %mul3A_358 = arith.constant 4 : i32
    %mul3A_359 = arith.muli %add3A, %mul3A_358 : i32
    %add3A_360 = arith.constant 2 : i32
    %add3A_361 = arith.addi %mul3A_359, %add3A_360 : i32
    %ge3A_362 = arith.constant 1 : i32
    %ge3A_363 = arith.cmpi sge, %add3A_361, %ge3A_362 : i32
    %convert_element_type3A_364 = arith.extui %ge3A_363 : i1 to i32
    %cond3A_365 = arith.constant 0 : i32
    %cond3A_366 = arith.cmpi ne, %convert_element_type3A_364, %cond3A_365 : i32
    scf.if %cond3A_366 {
      %mul3A_475 = arith.constant 4 : i32
      %mul3A_476 = arith.muli %add3A, %mul3A_475 : i32
      %add3A_477 = arith.constant 2 : i32
      %add3A_478 = arith.addi %mul3A_476, %add3A_477 : i32
      %sub3A = arith.constant 1 : i32
      %sub3A_479 = arith.subi %add3A_478, %sub3A : i32
      %mul3A_480 = arith.constant 512 : i32
      %mul3A_481 = arith.muli %sub3A_479, %mul3A_480 : i32
      %add3A_482 = arith.constant 256 : i32
      %add3A_483 = arith.addi %mul3A_481, %add3A_482 : i32
      %add3A_484 = arith.constant 128 : i32
      %add3A_485 = arith.addi %add3A_483, %add3A_484 : i32
      %dma_wait3A_486 = arith.constant 0 : i32
      %dma_wait3A_487 = tpu.memref_slice %arg3[%add3A_485, %dma_wait3A_486] : memref<65024x256xf32, #tpu.memory_space<hbm>> -> memref<128x256xf32, #tpu.memory_space<hbm>>
      %dma_wait3A_488 = arith.constant 0 : i32
      %dma_wait3A_489 = tpu.memref_slice %arg3[%add3A_485, %dma_wait3A_488] : memref<65024x256xf32, #tpu.memory_space<hbm>> -> memref<128x256xf32, #tpu.memory_space<hbm>>
      tpu.wait_dma2 semaphore(%arg11 : memref<!tpu.dma_semaphore, #tpu.memory_space<semaphore_mem>>) src(%arg5 : memref<128x256xf32, #tpu.memory_space<vmem>>) dst(%dma_wait3A_489 : memref<128x256xf32, #tpu.memory_space<hbm>>)
    } else {
    }
    %mul3A_367 = arith.constant 4 : i32
    %mul3A_368 = arith.muli %add3A, %mul3A_367 : i32
    %add3A_369 = arith.constant 3 : i32
    %add3A_370 = arith.addi %mul3A_368, %add3A_369 : i32
    %mul3A_371 = arith.constant 256 : i32
    %mul3A_372 = arith.muli %add3A_370, %mul3A_371 : i32
    %add3A_373 = arith.constant 128 : i32
    %add3A_374 = arith.addi %mul3A_372, %add3A_373 : i32
    %dma_start3A_375 = arith.constant 0 : i32
    %dma_start3A_376 = tpu.memref_slice %arg2[%add3A_374, %dma_start3A_375] : memref<32768x256xf32, #tpu.memory_space<hbm>> -> memref<128x256xf32, #tpu.memory_space<hbm>>
    %dma_start3A_377 = arith.constant 0 : i32
    %dma_start3A_378 = tpu.memref_slice %arg2[%add3A_374, %dma_start3A_377] : memref<32768x256xf32, #tpu.memory_space<hbm>> -> memref<128x256xf32, #tpu.memory_space<hbm>>
    tpu.enqueue_dma source(%dma_start3A_378 : memref<128x256xf32, #tpu.memory_space<hbm>>) target(%arg5 : memref<128x256xf32, #tpu.memory_space<vmem>>) target_semaphore(%arg7 : memref<!tpu.dma_semaphore, #tpu.memory_space<semaphore_mem>>)
    %mul3A_379 = arith.constant 4 : i32
    %mul3A_380 = arith.muli %add3A, %mul3A_379 : i32
    %add3A_381 = arith.constant 3 : i32
    %add3A_382 = arith.addi %mul3A_380, %add3A_381 : i32
    %mul3A_383 = arith.constant 256 : i32
    %mul3A_384 = arith.muli %add3A_382, %mul3A_383 : i32
    %add3A_385 = arith.constant 0 : i32
    %add3A_386 = arith.addi %mul3A_384, %add3A_385 : i32
    %dma_wait3A_387 = arith.constant 0 : i32
    %dma_wait3A_388 = tpu.memref_slice %arg2[%add3A_386, %dma_wait3A_387] : memref<32768x256xf32, #tpu.memory_space<hbm>> -> memref<128x256xf32, #tpu.memory_space<hbm>>
    %dma_wait3A_389 = arith.constant 0 : i32
    %dma_wait3A_390 = tpu.memref_slice %arg2[%add3A_386, %dma_wait3A_389] : memref<32768x256xf32, #tpu.memory_space<hbm>> -> memref<128x256xf32, #tpu.memory_space<hbm>>
    tpu.wait_dma2 semaphore(%arg6 : memref<!tpu.dma_semaphore, #tpu.memory_space<semaphore_mem>>) src(%dma_wait3A_390 : memref<128x256xf32, #tpu.memory_space<hbm>>) dst(%arg4 : memref<128x256xf32, #tpu.memory_space<vmem>>)
    %mul3A_391 = arith.constant 4 : i32
    %mul3A_392 = arith.muli %add3A, %mul3A_391 : i32
    %add3A_393 = arith.constant 3 : i32
    %add3A_394 = arith.addi %mul3A_392, %add3A_393 : i32
    %le3A_395 = arith.constant 126 : i32
    %le3A_396 = arith.cmpi sle, %add3A_394, %le3A_395 : i32
    %convert_element_type3A_397 = arith.extui %le3A_396 : i1 to i32
    %cond3A_398 = arith.constant 0 : i32
    %cond3A_399 = arith.cmpi ne, %convert_element_type3A_397, %cond3A_398 : i32
    scf.if %cond3A_399 {
      %mul3A_475 = arith.constant 4 : i32
      %mul3A_476 = arith.muli %add3A, %mul3A_475 : i32
      %add3A_477 = arith.constant 3 : i32
      %add3A_478 = arith.addi %mul3A_476, %add3A_477 : i32
      %mul3A_479 = arith.constant 512 : i32
      %mul3A_480 = arith.muli %add3A_478, %mul3A_479 : i32
      %add3A_481 = arith.constant 0 : i32
      %add3A_482 = arith.addi %mul3A_480, %add3A_481 : i32
      %dma_start3A_483 = arith.constant 0 : i32
      %dma_start3A_484 = tpu.memref_slice %arg3[%add3A_482, %dma_start3A_483] : memref<65024x256xf32, #tpu.memory_space<hbm>> -> memref<128x256xf32, #tpu.memory_space<hbm>>
      %dma_start3A_485 = arith.constant 0 : i32
      %dma_start3A_486 = tpu.memref_slice %arg3[%add3A_482, %dma_start3A_485] : memref<65024x256xf32, #tpu.memory_space<hbm>> -> memref<128x256xf32, #tpu.memory_space<hbm>>
      tpu.enqueue_dma source(%arg4 : memref<128x256xf32, #tpu.memory_space<vmem>>) target(%dma_start3A_486 : memref<128x256xf32, #tpu.memory_space<hbm>>) target_semaphore(%arg8 : memref<!tpu.dma_semaphore, #tpu.memory_space<semaphore_mem>>)
    } else {
    }
    %mul3A_400 = arith.constant 4 : i32
    %mul3A_401 = arith.muli %add3A, %mul3A_400 : i32
    %add3A_402 = arith.constant 3 : i32
    %add3A_403 = arith.addi %mul3A_401, %add3A_402 : i32
    %ge3A_404 = arith.constant 1 : i32
    %ge3A_405 = arith.cmpi sge, %add3A_403, %ge3A_404 : i32
    %convert_element_type3A_406 = arith.extui %ge3A_405 : i1 to i32
    %cond3A_407 = arith.constant 0 : i32
    %cond3A_408 = arith.cmpi ne, %convert_element_type3A_406, %cond3A_407 : i32
    scf.if %cond3A_408 {
      %mul3A_475 = arith.constant 4 : i32
      %mul3A_476 = arith.muli %add3A, %mul3A_475 : i32
      %add3A_477 = arith.constant 3 : i32
      %add3A_478 = arith.addi %mul3A_476, %add3A_477 : i32
      %sub3A = arith.constant 1 : i32
      %sub3A_479 = arith.subi %add3A_478, %sub3A : i32
      %mul3A_480 = arith.constant 512 : i32
      %mul3A_481 = arith.muli %sub3A_479, %mul3A_480 : i32
      %add3A_482 = arith.constant 256 : i32
      %add3A_483 = arith.addi %mul3A_481, %add3A_482 : i32
      %add3A_484 = arith.constant 0 : i32
      %add3A_485 = arith.addi %add3A_483, %add3A_484 : i32
      %dma_start3A_486 = arith.constant 0 : i32
      %dma_start3A_487 = tpu.memref_slice %arg3[%add3A_485, %dma_start3A_486] : memref<65024x256xf32, #tpu.memory_space<hbm>> -> memref<128x256xf32, #tpu.memory_space<hbm>>
      %dma_start3A_488 = arith.constant 0 : i32
      %dma_start3A_489 = tpu.memref_slice %arg3[%add3A_485, %dma_start3A_488] : memref<65024x256xf32, #tpu.memory_space<hbm>> -> memref<128x256xf32, #tpu.memory_space<hbm>>
      tpu.enqueue_dma source(%arg4 : memref<128x256xf32, #tpu.memory_space<vmem>>) target(%dma_start3A_489 : memref<128x256xf32, #tpu.memory_space<hbm>>) target_semaphore(%arg10 : memref<!tpu.dma_semaphore, #tpu.memory_space<semaphore_mem>>)
    } else {
    }
    %mul3A_409 = arith.constant 4 : i32
    %mul3A_410 = arith.muli %add3A, %mul3A_409 : i32
    %add3A_411 = arith.constant 3 : i32
    %add3A_412 = arith.addi %mul3A_410, %add3A_411 : i32
    %mul3A_413 = arith.constant 256 : i32
    %mul3A_414 = arith.muli %add3A_412, %mul3A_413 : i32
    %add3A_415 = arith.constant 128 : i32
    %add3A_416 = arith.addi %mul3A_414, %add3A_415 : i32
    %dma_wait3A_417 = arith.constant 0 : i32
    %dma_wait3A_418 = tpu.memref_slice %arg2[%add3A_416, %dma_wait3A_417] : memref<32768x256xf32, #tpu.memory_space<hbm>> -> memref<128x256xf32, #tpu.memory_space<hbm>>
    %dma_wait3A_419 = arith.constant 0 : i32
    %dma_wait3A_420 = tpu.memref_slice %arg2[%add3A_416, %dma_wait3A_419] : memref<32768x256xf32, #tpu.memory_space<hbm>> -> memref<128x256xf32, #tpu.memory_space<hbm>>
    tpu.wait_dma2 semaphore(%arg7 : memref<!tpu.dma_semaphore, #tpu.memory_space<semaphore_mem>>) src(%dma_wait3A_420 : memref<128x256xf32, #tpu.memory_space<hbm>>) dst(%arg5 : memref<128x256xf32, #tpu.memory_space<vmem>>)
    %mul3A_421 = arith.constant 4 : i32
    %mul3A_422 = arith.muli %add3A, %mul3A_421 : i32
    %add3A_423 = arith.constant 3 : i32
    %add3A_424 = arith.addi %mul3A_422, %add3A_423 : i32
    %le3A_425 = arith.constant 126 : i32
    %le3A_426 = arith.cmpi sle, %add3A_424, %le3A_425 : i32
    %convert_element_type3A_427 = arith.extui %le3A_426 : i1 to i32
    %cond3A_428 = arith.constant 0 : i32
    %cond3A_429 = arith.cmpi ne, %convert_element_type3A_427, %cond3A_428 : i32
    scf.if %cond3A_429 {
      %mul3A_475 = arith.constant 4 : i32
      %mul3A_476 = arith.muli %add3A, %mul3A_475 : i32
      %add3A_477 = arith.constant 3 : i32
      %add3A_478 = arith.addi %mul3A_476, %add3A_477 : i32
      %mul3A_479 = arith.constant 512 : i32
      %mul3A_480 = arith.muli %add3A_478, %mul3A_479 : i32
      %add3A_481 = arith.constant 128 : i32
      %add3A_482 = arith.addi %mul3A_480, %add3A_481 : i32
      %dma_start3A_483 = arith.constant 0 : i32
      %dma_start3A_484 = tpu.memref_slice %arg3[%add3A_482, %dma_start3A_483] : memref<65024x256xf32, #tpu.memory_space<hbm>> -> memref<128x256xf32, #tpu.memory_space<hbm>>
      %dma_start3A_485 = arith.constant 0 : i32
      %dma_start3A_486 = tpu.memref_slice %arg3[%add3A_482, %dma_start3A_485] : memref<65024x256xf32, #tpu.memory_space<hbm>> -> memref<128x256xf32, #tpu.memory_space<hbm>>
      tpu.enqueue_dma source(%arg5 : memref<128x256xf32, #tpu.memory_space<vmem>>) target(%dma_start3A_486 : memref<128x256xf32, #tpu.memory_space<hbm>>) target_semaphore(%arg9 : memref<!tpu.dma_semaphore, #tpu.memory_space<semaphore_mem>>)
    } else {
    }
    %mul3A_430 = arith.constant 4 : i32
    %mul3A_431 = arith.muli %add3A, %mul3A_430 : i32
    %add3A_432 = arith.constant 3 : i32
    %add3A_433 = arith.addi %mul3A_431, %add3A_432 : i32
    %ge3A_434 = arith.constant 1 : i32
    %ge3A_435 = arith.cmpi sge, %add3A_433, %ge3A_434 : i32
    %convert_element_type3A_436 = arith.extui %ge3A_435 : i1 to i32
    %cond3A_437 = arith.constant 0 : i32
    %cond3A_438 = arith.cmpi ne, %convert_element_type3A_436, %cond3A_437 : i32
    scf.if %cond3A_438 {
      %mul3A_475 = arith.constant 4 : i32
      %mul3A_476 = arith.muli %add3A, %mul3A_475 : i32
      %add3A_477 = arith.constant 3 : i32
      %add3A_478 = arith.addi %mul3A_476, %add3A_477 : i32
      %sub3A = arith.constant 1 : i32
      %sub3A_479 = arith.subi %add3A_478, %sub3A : i32
      %mul3A_480 = arith.constant 512 : i32
      %mul3A_481 = arith.muli %sub3A_479, %mul3A_480 : i32
      %add3A_482 = arith.constant 256 : i32
      %add3A_483 = arith.addi %mul3A_481, %add3A_482 : i32
      %add3A_484 = arith.constant 128 : i32
      %add3A_485 = arith.addi %add3A_483, %add3A_484 : i32
      %dma_start3A_486 = arith.constant 0 : i32
      %dma_start3A_487 = tpu.memref_slice %arg3[%add3A_485, %dma_start3A_486] : memref<65024x256xf32, #tpu.memory_space<hbm>> -> memref<128x256xf32, #tpu.memory_space<hbm>>
      %dma_start3A_488 = arith.constant 0 : i32
      %dma_start3A_489 = tpu.memref_slice %arg3[%add3A_485, %dma_start3A_488] : memref<65024x256xf32, #tpu.memory_space<hbm>> -> memref<128x256xf32, #tpu.memory_space<hbm>>
      tpu.enqueue_dma source(%arg5 : memref<128x256xf32, #tpu.memory_space<vmem>>) target(%dma_start3A_489 : memref<128x256xf32, #tpu.memory_space<hbm>>) target_semaphore(%arg11 : memref<!tpu.dma_semaphore, #tpu.memory_space<semaphore_mem>>)
    } else {
    }
    %mul3A_439 = arith.constant 4 : i32
    %mul3A_440 = arith.muli %add3A, %mul3A_439 : i32
    %add3A_441 = arith.constant 3 : i32
    %add3A_442 = arith.addi %mul3A_440, %add3A_441 : i32
    %le3A_443 = arith.constant 126 : i32
    %le3A_444 = arith.cmpi sle, %add3A_442, %le3A_443 : i32
    %convert_element_type3A_445 = arith.extui %le3A_444 : i1 to i32
    %cond3A_446 = arith.constant 0 : i32
    %cond3A_447 = arith.cmpi ne, %convert_element_type3A_445, %cond3A_446 : i32
    scf.if %cond3A_447 {
      %mul3A_475 = arith.constant 4 : i32
      %mul3A_476 = arith.muli %add3A, %mul3A_475 : i32
      %add3A_477 = arith.constant 3 : i32
      %add3A_478 = arith.addi %mul3A_476, %add3A_477 : i32
      %mul3A_479 = arith.constant 512 : i32
      %mul3A_480 = arith.muli %add3A_478, %mul3A_479 : i32
      %add3A_481 = arith.constant 0 : i32
      %add3A_482 = arith.addi %mul3A_480, %add3A_481 : i32
      %dma_wait3A_483 = arith.constant 0 : i32
      %dma_wait3A_484 = tpu.memref_slice %arg3[%add3A_482, %dma_wait3A_483] : memref<65024x256xf32, #tpu.memory_space<hbm>> -> memref<128x256xf32, #tpu.memory_space<hbm>>
      %dma_wait3A_485 = arith.constant 0 : i32
      %dma_wait3A_486 = tpu.memref_slice %arg3[%add3A_482, %dma_wait3A_485] : memref<65024x256xf32, #tpu.memory_space<hbm>> -> memref<128x256xf32, #tpu.memory_space<hbm>>
      tpu.wait_dma2 semaphore(%arg8 : memref<!tpu.dma_semaphore, #tpu.memory_space<semaphore_mem>>) src(%arg4 : memref<128x256xf32, #tpu.memory_space<vmem>>) dst(%dma_wait3A_486 : memref<128x256xf32, #tpu.memory_space<hbm>>)
    } else {
    }
    %mul3A_448 = arith.constant 4 : i32
    %mul3A_449 = arith.muli %add3A, %mul3A_448 : i32
    %add3A_450 = arith.constant 3 : i32
    %add3A_451 = arith.addi %mul3A_449, %add3A_450 : i32
    %ge3A_452 = arith.constant 1 : i32
    %ge3A_453 = arith.cmpi sge, %add3A_451, %ge3A_452 : i32
    %convert_element_type3A_454 = arith.extui %ge3A_453 : i1 to i32
    %cond3A_455 = arith.constant 0 : i32
    %cond3A_456 = arith.cmpi ne, %convert_element_type3A_454, %cond3A_455 : i32
    scf.if %cond3A_456 {
      %mul3A_475 = arith.constant 4 : i32
      %mul3A_476 = arith.muli %add3A, %mul3A_475 : i32
      %add3A_477 = arith.constant 3 : i32
      %add3A_478 = arith.addi %mul3A_476, %add3A_477 : i32
      %sub3A = arith.constant 1 : i32
      %sub3A_479 = arith.subi %add3A_478, %sub3A : i32
      %mul3A_480 = arith.constant 512 : i32
      %mul3A_481 = arith.muli %sub3A_479, %mul3A_480 : i32
      %add3A_482 = arith.constant 256 : i32
      %add3A_483 = arith.addi %mul3A_481, %add3A_482 : i32
      %add3A_484 = arith.constant 0 : i32
      %add3A_485 = arith.addi %add3A_483, %add3A_484 : i32
      %dma_wait3A_486 = arith.constant 0 : i32
      %dma_wait3A_487 = tpu.memref_slice %arg3[%add3A_485, %dma_wait3A_486] : memref<65024x256xf32, #tpu.memory_space<hbm>> -> memref<128x256xf32, #tpu.memory_space<hbm>>
      %dma_wait3A_488 = arith.constant 0 : i32
      %dma_wait3A_489 = tpu.memref_slice %arg3[%add3A_485, %dma_wait3A_488] : memref<65024x256xf32, #tpu.memory_space<hbm>> -> memref<128x256xf32, #tpu.memory_space<hbm>>
      tpu.wait_dma2 semaphore(%arg10 : memref<!tpu.dma_semaphore, #tpu.memory_space<semaphore_mem>>) src(%arg4 : memref<128x256xf32, #tpu.memory_space<vmem>>) dst(%dma_wait3A_489 : memref<128x256xf32, #tpu.memory_space<hbm>>)
    } else {
    }
    %mul3A_457 = arith.constant 4 : i32
    %mul3A_458 = arith.muli %add3A, %mul3A_457 : i32
    %add3A_459 = arith.constant 3 : i32
    %add3A_460 = arith.addi %mul3A_458, %add3A_459 : i32
    %le3A_461 = arith.constant 126 : i32
    %le3A_462 = arith.cmpi sle, %add3A_460, %le3A_461 : i32
    %convert_element_type3A_463 = arith.extui %le3A_462 : i1 to i32
    %cond3A_464 = arith.constant 0 : i32
    %cond3A_465 = arith.cmpi ne, %convert_element_type3A_463, %cond3A_464 : i32
    scf.if %cond3A_465 {
      %mul3A_475 = arith.constant 4 : i32
      %mul3A_476 = arith.muli %add3A, %mul3A_475 : i32
      %add3A_477 = arith.constant 3 : i32
      %add3A_478 = arith.addi %mul3A_476, %add3A_477 : i32
      %mul3A_479 = arith.constant 512 : i32
      %mul3A_480 = arith.muli %add3A_478, %mul3A_479 : i32
      %add3A_481 = arith.constant 128 : i32
      %add3A_482 = arith.addi %mul3A_480, %add3A_481 : i32
      %dma_wait3A_483 = arith.constant 0 : i32
      %dma_wait3A_484 = tpu.memref_slice %arg3[%add3A_482, %dma_wait3A_483] : memref<65024x256xf32, #tpu.memory_space<hbm>> -> memref<128x256xf32, #tpu.memory_space<hbm>>
      %dma_wait3A_485 = arith.constant 0 : i32
      %dma_wait3A_486 = tpu.memref_slice %arg3[%add3A_482, %dma_wait3A_485] : memref<65024x256xf32, #tpu.memory_space<hbm>> -> memref<128x256xf32, #tpu.memory_space<hbm>>
      tpu.wait_dma2 semaphore(%arg9 : memref<!tpu.dma_semaphore, #tpu.memory_space<semaphore_mem>>) src(%arg5 : memref<128x256xf32, #tpu.memory_space<vmem>>) dst(%dma_wait3A_486 : memref<128x256xf32, #tpu.memory_space<hbm>>)
    } else {
    }
    %mul3A_466 = arith.constant 4 : i32
    %mul3A_467 = arith.muli %add3A, %mul3A_466 : i32
    %add3A_468 = arith.constant 3 : i32
    %add3A_469 = arith.addi %mul3A_467, %add3A_468 : i32
    %ge3A_470 = arith.constant 1 : i32
    %ge3A_471 = arith.cmpi sge, %add3A_469, %ge3A_470 : i32
    %convert_element_type3A_472 = arith.extui %ge3A_471 : i1 to i32
    %cond3A_473 = arith.constant 0 : i32
    %cond3A_474 = arith.cmpi ne, %convert_element_type3A_472, %cond3A_473 : i32
    scf.if %cond3A_474 {
      %mul3A_475 = arith.constant 4 : i32
      %mul3A_476 = arith.muli %add3A, %mul3A_475 : i32
      %add3A_477 = arith.constant 3 : i32
      %add3A_478 = arith.addi %mul3A_476, %add3A_477 : i32
      %sub3A = arith.constant 1 : i32
      %sub3A_479 = arith.subi %add3A_478, %sub3A : i32
      %mul3A_480 = arith.constant 512 : i32
      %mul3A_481 = arith.muli %sub3A_479, %mul3A_480 : i32
      %add3A_482 = arith.constant 256 : i32
      %add3A_483 = arith.addi %mul3A_481, %add3A_482 : i32
      %add3A_484 = arith.constant 128 : i32
      %add3A_485 = arith.addi %add3A_483, %add3A_484 : i32
      %dma_wait3A_486 = arith.constant 0 : i32
      %dma_wait3A_487 = tpu.memref_slice %arg3[%add3A_485, %dma_wait3A_486] : memref<65024x256xf32, #tpu.memory_space<hbm>> -> memref<128x256xf32, #tpu.memory_space<hbm>>
      %dma_wait3A_488 = arith.constant 0 : i32
      %dma_wait3A_489 = tpu.memref_slice %arg3[%add3A_485, %dma_wait3A_488] : memref<65024x256xf32, #tpu.memory_space<hbm>> -> memref<128x256xf32, #tpu.memory_space<hbm>>
      tpu.wait_dma2 semaphore(%arg11 : memref<!tpu.dma_semaphore, #tpu.memory_space<semaphore_mem>>) src(%arg5 : memref<128x256xf32, #tpu.memory_space<vmem>>) dst(%dma_wait3A_489 : memref<128x256xf32, #tpu.memory_space<hbm>>)
    } else {
    }
    return
  }
}

</mosaic_0001>

<sc_bundles>
// kernel: kernel.3.cloned.1.call-start
scs
__scs_entry_jumppad:
0x0: {  	(pc) =	sbr.rel $0x88, $3  }
0x1: {  	(tag) =	ssettag $0x0;
	lr =	simm.s32 $0x1  }
0x2: {  	[smem:$0x3FA0] =	sst lr;
	_ =	strace $0xD0000000  }
0x3: {  	_ = 	snop  }
0x4: {  	_ = 	snop  }
0x5: {  	_ = 	snop  }
0x6: {  	_ = 	snop  }
0x7: {  	_ = 	snop  }
__scs_overlays_trampoline_lowered:
0x8: {  	[smem:$0x3FAF] =	sst s0  }
0x9: {  	[smem:$0x3FB0] =	sst s1  }
0xa: {  	[smem:$0x3FB1] =	sst s2  }
0xb: {  	[smem:$0x3FB2] =	sst s3  }
0xc: {  	[smem:$0x3FB3] =	sst s4  }
0xd: {  	[smem:$0x3FB4] =	sst s5  }
0xe: {  	[smem:$0x3FB5] =	sst s6  }
0xf: {  	[smem:$0x3FB6] =	sst s7  }
0x10: {  	[smem:$0x3FB7] =	sst s8  }
0x11: {  	[smem:$0x3FB8] =	sst s9;
	s0 =	simm.s32 @!p0 $0x0  }
0x12: {  	s1 =	sld [smem:$0x3F9E];
	s0 =	simm.s32 @p0 $0x1  }
0x13: {  	[smem:$0x3FB9] =	sst s0;
	s0 =	simm.s32 @!p1 $0x0  }
0x14: {  	s2 =	sld [smem:$0x3F9D];
	s0 =	simm.s32 @p1 $0x1  }
0x15: {  	[smem:$0x3FBA] =	sst s0;
	s0 =	simm.s32 @!p2 $0x0  }
0x16: {  	s3 =	sld [smem:$0x3FDB];
	s0 =	simm.s32 @p2 $0x1  }
0x17: {  	s4 =	simm.s32 $0x1BF5;
	[smem:$0x3FBC] =	sst s0  }
0x18: {  	s0 =	sld [smem:$0x3F9F];
	_ =	swait.ge [sflag:s4], $0x0  }
0x19: {  	s7 =	sld [smem:$0x3FA0]  }
0x1a: {  	s8 =	sadd.s32 $0xFFFFE003, lr  }
0x1b: {  	s9 =	sadd.s32 $0xFFFFFEF7, lr;
	s5 =	simm.s32 $0xFFFFFFFF;
	p2 =	slt.u32 s8, $0xFFFFF086  }
0x1c: {  	p1 =	slt.u32 s9, $0xF7A;
	s5 =	simm.s32 @!p2 $0x0  }
0x1d: {  	s5 =	simm.s32 @p1 $0x1;
	p0 =	seq.s32 s7, s2  }
0x1e: {  	s7 =	smul.u32 @!p0 $0xF7A, s2;
	p2 =	seq.s32 @!p0 s5, $0x0  }
0x1f: {  	s9 =	smul.u32 $0xF7A, s1;
	s8 =	simm.s32 @!p0 $0x1BF5;
	p2 =	por !p2, p0  }
0x20: {  	[sflag:s8] =	ssyncset.s32 @!p0 $0xFFFFF086;
	s6 =	sadd.s32 @!p0 s3, s7;
	s7 =	simm.s32 @!p0 $0x108  }
0x21: {  	s3 =	sadd.s32 s3, s9;
	s6 =	sadd.s32 @!p0 $0x88, s6;
	s7 =	simm.s32 @p2 $0x1082  }
0x22: {  	[simem:s7], [sflag:s8] =	dma.local @!p0 [hbm:s6], $0xF7A  }
0x23: {  	s9 =	sor.u32 $0xD0000000, s2;
	s6 =	simm.s32 $0x108;
	_ =	swait.ge @!p0 [sflag:s8], $0x0  }
0x24: {  	s3 =	sadd.s32 $0x88, s3;
	s6 =	simm.s32 @!p1 $0x1082;
	[sflag:s4] =	ssyncset.s32 $0xFFFFF086  }
0x25: {  	[simem:s6], [sflag:s4] =	dma.local [hbm:s3], $0xF7A  }
0x26: {  	[smem:$0x3FA0] =	sst s1;
	(tag) =	ssettag s2;
	_ =	strace s9  }
0x27: {  	s1 =	sld [smem:$0x3FB0]  }
0x28: {  	s2 =	sld [smem:$0x3FB1]  }
0x29: {  	s4 =	sld [smem:$0x3FB3]  }
0x2a: {  	p0 =	seq.s32 s5, $0x0;
	s5 =	sld [smem:$0x3FB4]  }
0x2b: {  	s6 =	sld [smem:$0x3FB5]  }
0x2c: {  	s7 =	sld [smem:$0x3FB6]  }
0x2d: {  	s3 =	simm.s32 $0x108;
	s8 =	sld [smem:$0x3FB7]  }
0x2e: {  	s3 =	simm.s32 @!p0 $0x1082;
	s9 =	sld [smem:$0x3FB8]  }
0x2f: {  	lr =	sadd.s32 s0, s3;
	s0 =	sld [smem:$0x3FAF]  }
0x30: {  	s3 =	sld [smem:$0x3FB2]  }
0x31: {  	[smem:$0x3FBB] =	sst s10  }
0x32: {  	s10 =	sld [smem:$0x3FB9];
	_ =	sdelay $0x3  }
0x33: {  	p0 =	seq.s32 s10, $0x1;
	s10 =	sld [smem:$0x3FBB];
	_ =	sdelay $0x3  }
0x34: {  	[smem:$0x3FBB] =	sst s10  }
0x35: {  	s10 =	sld [smem:$0x3FBA];
	_ =	sdelay $0x3  }
0x36: {  	p1 =	seq.s32 s10, $0x1;
	s10 =	sld [smem:$0x3FBB];
	_ =	sdelay $0x3  }
0x37: {  	[smem:$0x3FBB] =	sst s10  }
0x38: {  	s10 =	sld [smem:$0x3FBC]  }
0x39: {  	_ = 	snop;
	(pc) =	sbr.ind lr, $3  }
0x3a: {  	_ = 	snop  }
0x3b: {  	_ = 	snop  }
0x3c: {  	p2 =	seq.s32 s10, $0x1;
	s10 =	sld [smem:$0x3FBB]  }
0x3d: {  	_ =	shalt  }
0x3e: {  	_ =	shalt  }
0x3f: {  	_ =	shalt  }
0x40: {  	_ =	shalt  }
0x41: {  	_ =	shalt  }
0x42: {  	_ =	shalt  }
0x43: {  	_ =	shalt  }
0x44: {  	_ =	shalt  }
0x45: {  	_ =	shalt  }
0x46: {  	_ =	shalt  }
0x47: {  	_ =	shalt  }
0x48: {  	_ =	shalt  }
0x49: {  	_ =	shalt  }
0x4a: {  	_ =	shalt  }
0x4b: {  	_ =	shalt  }
0x4c: {  	_ =	shalt  }
0x4d: {  	_ =	shalt  }
0x4e: {  	_ =	shalt  }
0x4f: {  	_ =	shalt  }
0x50: {  	_ =	shalt  }
0x51: {  	_ =	shalt  }
0x52: {  	_ =	shalt  }
0x53: {  	_ =	shalt  }
0x54: {  	_ =	shalt  }
0x55: {  	_ =	shalt  }
0x56: {  	_ =	shalt  }
0x57: {  	_ =	shalt  }
0x58: {  	_ =	shalt  }
0x59: {  	_ =	shalt  }
0x5a: {  	_ =	shalt  }
0x5b: {  	_ =	shalt  }
0x5c: {  	_ =	shalt  }
0x5d: {  	_ =	shalt  }
0x5e: {  	_ =	shalt  }
0x5f: {  	_ =	shalt  }
0x60: {  	_ =	shalt  }
0x61: {  	_ =	shalt  }
0x62: {  	_ =	shalt  }
0x63: {  	_ =	shalt  }
0x64: {  	_ =	shalt  }
0x65: {  	_ =	shalt  }
0x66: {  	_ =	shalt  }
0x67: {  	_ =	shalt  }
0x68: {  	_ =	shalt  }
0x69: {  	_ =	shalt  }
0x6a: {  	_ =	shalt  }
0x6b: {  	_ =	shalt  }
0x6c: {  	_ =	shalt  }
0x6d: {  	_ =	shalt  }
0x6e: {  	_ =	shalt  }
0x6f: {  	_ =	shalt  }
0x70: {  	_ =	shalt  }
0x71: {  	_ =	shalt  }
0x72: {  	_ =	shalt  }
0x73: {  	_ =	shalt  }
0x74: {  	_ =	shalt  }
0x75: {  	_ =	shalt  }
0x76: {  	_ =	shalt  }
0x77: {  	_ =	shalt  }
0x78: {  	_ =	shalt  }
0x79: {  	_ =	shalt  }
0x7a: {  	_ =	shalt  }
0x7b: {  	_ =	shalt  }
0x7c: {  	_ =	shalt  }
0x7d: {  	_ =	shalt  }
0x7e: {  	_ =	shalt  }
0x7f: {  	_ =	shalt  }
0x80: {  	_ =	shalt  }
0x81: {  	_ =	shalt  }
0x82: {  	_ =	shalt  }
0x83: {  	_ =	shalt  }
0x84: {  	_ =	shalt  }
0x85: {  	_ =	shalt  }
0x86: {  	_ =	shalt  }
0x87: {  	_ =	shalt  }
.Lfunc_end0:
.L_simem_size_0:
called_computation_lowered:
.L_overlay_start_0:
0x88: {  	s2 =	sld [smem:$0x3FD9]  }
0x89: {  	s3 =	sld [smem:$0x3FFE];
	_ =	sdelay $0x1  }
0x8a: {  	s1 =	srdreg.scid  }
0x8b: {  	s0 =	sand.u32 $0x1, s1  }
0x8c: {  	s18 =	sshll.u32 s0, $0xA;
	s2 =	sadd.s32 s3, s2  }
0x8d: {  	s2 =	sadd.s32 s2, s18  }
0x8e: {  	[smem:$0x3FC7] =	sst s2  }
0x8f: {  	_ = 	snop  }
0x90: {  	s2 =	sld [smem:$0x3FC9]  }
0x91: {  	s19 =	sld [smem:$0x3FD0];
	(tm) =	ssettm $0x1  }
0x92: {  	s4 =	sld [smem:$0x3FFB];
	_ =	sdelay $0x3  }
0x93: {  	_ =	strace s4  }
0x94: {  	s4 =	sld [smem:$0x3FFC];
	_ =	sdelay $0x3  }
0x95: {  	_ =	strace s4  }
0x96: {  	s4 =	sld [smem:$0x3FFD];
	_ =	sdelay $0x3  }
0x97: {  	_ =	strace s4  }
0x98: {  	_ =	strace $0x8FFFFFFF  }
0x99: {  	s20 =	sld [smem:$0x3FDB];
	_ =	sdelay $0x1  }
0x9a: {  	s5 =	simm.s32 $_scs_section_size  }
0x9b: {  	s6 =	simm.s32 $_size__tile_overlayer_lowered;
	s7 =	simm.s32 $_tile_overlayer_lowered  }
0x9c: {  	s23 =	simm.s32 $0x1BFF;
	s22 =	sshll.u32 s7, $0x1;
	s4 =	sadd.s32 s5, s20  }
0x9d: {  	s8 =	simm.s32 $0x0;
	s21 =	sshll.u32 s6, $0x1;
	s6 =	sadd.s32 s22, s4  }
0x9e: {  	[timem:s8], [sflag:s23] =	dma.local [hbm:s6], s21  }
0x9f: {  	_ =	swait.ge [sflag:s23], s21  }
0xa0: {  	s5 =	ssub.s32 $0x0, s21;
	[sflag:s23] =	ssyncset.done $0x0  }
0xa1: {  	[sflag:s23] =	ssyncadd.s32 s5;
	_ =	sdelay $0x1  }
0xa2: {  	s24 =	simm.s32 $0x1B8B  }
0xa3: {  	_ =	swait.ge [sflag:s24], $0x1  }
0xa4: {  	[sflag:s24] =	ssyncset.done $0x0  }
0xa5: {  	s25 =	simm.s32 $0x1B8E;
	[sflag:s24] =	ssyncadd.s32 $0xFFFFFFFF  }
0xa6: {  	s26 =	simm.s32 $execute0_lowered;
	[smem:$0x3FD2] =	sst s25  }
0xa7: {  	s5 =	sshll.u32 s26, $0x1;
	_ =	strace $0x80000046;
	[dreg:$0x1] =	wrdreg $0xFFFFFFFF  }
0xa8: {  	s28 =	simm.s32 $_size_execute0_lowered;
	s4 =	sadd.s32 s4, s5;
	[dreg:$0x0] =	wrdreg $0x0  }
0xa9: {  	s5 =	sshll.u32 s28, $0x1;
	[dreg:$0x2] =	wrdreg s4  }
0xaa: {  	[dreg:$0x3] =	wrdreg s5  }
0xab: {  	[dreg:$0x4] =	wrdreg $0xC0  }
0xac: {  	_ =	task [dreg:s8], $0x5FFFF  }
0xad: {  	[dreg:$0x1] =	wrdreg $0xFFFFFFFF  }
0xae: {  	[dreg:$0x0] =	wrdreg $0x60  }
0xaf: {  	[dreg:$0x2] =	wrdreg s2  }
0xb0: {  	[dreg:$0x3] =	wrdreg s19  }
0xb1: {  	[dreg:$0x4] =	wrdreg $0x9  }
0xb2: {  	_ =	task.clear_ibuf [dreg:s8], $0x5FFFF;
	_ =	strace $0x90000046  }
0xb3: {  	s29 =	simm.s32 $0x9;
	_ =	strace $0x80000048  }
0xb4: {  	_ =	swait.ge [sflag:s29], $0x1  }
0xb5: {  	[sflag:s29] =	ssyncadd.s32 $0xFFFFFFFF  }
0xb6: {  	_ =	strace $0x90000048  }
0xb7: {  	_ =	sfence  }
0xb8: {  	s30 =	sld [smem:$0x0];
	_ =	sdelay $0x2  }
0xb9: {  	s31 =	sshll.u32 s1, $0xD;
	s1 =	sshrl.u32 s1, $0x2  }
0xba: {  	s3 =	sand.u32 $0x4000, s31;
	s1 =	sadd.s32 s1, s30  }
0xbb: {  	s0 =	sor.u32 s3, s0;
	s1 =	sshll.u32 s1, $0x11  }
0xbc: {  	s0 =	sor.u32 s1, s0  }
0xbd: {  	s0 =	sadd.s32 $0x8F2B, s0  }
0xbe: {  	[sflag:s0] =	ssyncadd.remote.s32 $0x1  }
0xbf: {  	_ =	sfence.sel $0xFFFF  }
0xc0: {  	[dreg:$0x0] =	wrdreg $0xFFFFFFFF;
	(pc) =	sbr.abs _section_cstart, $3  }
0xc1: {  	[dreg:$0x1] =	wrdreg $0xFFFFFFFF  }
0xc2: {  	_ =	task.clear_ibuf [dreg:s8], $0x2FFFF;
	_ =	strace $0x9FFFFFFF  }
0xc3: {  	(tm) =	ssettm $0x7FFFFFFF  }
tec
execute0_lowered:
.L_overlay_start_1:
0x0: {  	(tag) =	ssettag $0x1  }
0x1: {  	s4 =	rddreg [dreg:$0x0];
	s0 =	srdreg.scid  }
0x2: {  	s18 =	stileid.u32;
	s1 =	rddreg [dreg:$0x1]  }
0x3: {  	s19 =	rddreg [dreg:$0x2];
	s2 =	simm.s32 $0x0;
	p2 =	por $0x0, $0x0  }
0x4: {  	s0 =	sand.u32 $0x1, s0;
	s3 =	sshll.u32 s18, $0x1;
	[smem:$0x7FF] =	sst s2  }
0x5: {  	s7 =	sadd.s32 $0x1000, s4;
	s12 =	sadd.s32 $0x1000, s1;
	s15 =	sadd.s32 $0x2000, s1  }
0x6: {  	s13 =	sadd.s32 $0x3000, s1;
	s3 =	sor.u32 s0, s3;
	_ =	strace $0x80000047  }
0x7: {  	s0 =	ssub.s32 $0x2, s0;
	s5 =	sshll.u32 s3, $0xF;
	s26 =	sshll.u32 s3, $0x13  }
0x8: {  	s28 =	sshll.u32 s3, $0x10;
	s9 =	sshll.u32 s3, $0x2;
	s25 =	sshllo.u32 s3, $0x2  }
0x9: {  	p1 =	seq.s32 s3, $0x0;
	p0 =	seq.s32 s3, $0x1F;
	s3 =	simm.s32 $0x6  }
0xa: {  	s6 =	sadd.s32 s4, s5;
	s5 =	sadd.s32 s5, s7;
	s8 =	sadd.s32 $0xFFFF0000, s26  }
0xb: {  	s10 =	sadd.s32 s1, s28;
	s29 =	sor.u32 $0x1, s9;
	[dreg:$0x3] =	wrdreg s6  }
0xc: {  	s31 =	sadd.s32 s28, s12;
	s9 =	sor.u32 $0x2, s9;
	[dreg:$0x4] =	wrdreg s5  }
0xd: {  	s16 =	sadd.s32 s28, s15;
	s8 =	sshrl.u32 s8, $0x3;
	[dreg:$0x5] =	wrdreg s10  }
0xe: {  	s30 =	sshll.u32 s29, $0xD;
	s6 =	sadd.s32 $0xFFFF8000, s26;
	[dreg:$0x8] =	wrdreg s31  }
0xf: {  	s10 =	sshll.u32 s29, $0xE;
	s17 =	sshll.u32 s9, $0xD;
	[dreg:$0xc] =	wrdreg s16  }
0x10: {  	s5 =	sadd.s32 s28, s13;
	s23 =	sshll.u32 s9, $0xE;
	s28 =	sshll.u32 s25, $0xD  }
0x11: {  	s31 =	sshll.u32 s25, $0xE;
	s8 =	sadd.s32 s1, s8;
	s11 =	sadd.s32 s4, s30  }
0x12: {  	s6 =	sshrl.u32 s6, $0x3;
	s14 =	sadd.s32 s1, s10;
	[dreg:$0xf] =	wrdreg s5  }
0x13: {  	s20 =	sadd.s32 s4, s17;
	s21 =	sadd.s32 s10, s12;
	[dreg:$0x6] =	wrdreg s8  }
0x14: {  	s22 =	sadd.s32 s17, s7;
	s24 =	sadd.s32 s1, s23;
	[dreg:$0x7] =	wrdreg s11  }
0x15: {  	s26 =	sadd.s32 s10, s15;
	s4 =	sadd.s32 s4, s28;
	[dreg:$0xb] =	wrdreg s14  }
0x16: {  	s29 =	sadd.s32 s23, s12;
	s9 =	sadd.s32 s28, s7;
	[dreg:$0xd] =	wrdreg s20  }
0x17: {  	s6 =	sadd.s32 s1, s6;
	[dreg:$0xe] =	wrdreg s21;
	s14 =	sshrl.u32 s0, $0x1  }
0x18: {  	s8 =	sadd.s32 s30, s7;
	[dreg:$0x10] =	wrdreg s22;
	s0 =	ssub.s32 s0, s14  }
0x19: {  	[dreg:$0x11] =	wrdreg s24;
	s7 =	sadd.s32 s1, s31;
	s0 =	smax.u32 s0, $0x1  }
0x1a: {  	[dreg:$0xa] =	wrdreg s8;
	s8 =	sadd.s32 $0x1FB000, s1;
	s1 =	sadd.s32 $0xFFFFFFFF, s0  }
0x1b: {  	s5 =	sadd.s32 s31, s12;
	[dreg:$0x12] =	wrdreg s26;
	p3 =	sne.s32 s1, $0x0  }
.Ltmp0:
0x1c: {  	s12 =	simm.s32 $0x4;
	[dreg:$0x13] =	wrdreg s4;
	(pc) =	sbr.rel @!p3 .LBB2_5-.Ltmp0, $4  }
0x1d: {  	[dreg:$0x14] =	wrdreg s29;
	s30 =	sadd.s32 s10, s13;
	s4 =	sadd.s32 s23, s13  }
0x1e: {  	s11 =	simm.s32 $0x8000;
	s10 =	simm.s32 $0x1;
	[dreg:$0x9] =	wrdreg s6  }
0x1f: {  	s13 =	simm.s32 $0x2;
	[dreg:$0x15] =	wrdreg s30;
	s6 =	sadd.s32 s23, s15  }
0x20: {  	s14 =	simm.s32 $0x3;
	s15 =	simm.s32 $0x5;
	s0 =	rddreg [dreg:$0x3]  }
0x21: {  	[tilespmem:s2], [sflag:$0x1] =	stream.linear.gather [hbm4b:s0+s2], $0x8000, $0x38;
	[tilespmem:$0x10000] =	vst v63  }
0x22: {  	s16 =	rddreg [dreg:$0x4]  }
0x23: {  	[tilespmem:s11], [sflag:$0x2] =	stream.linear.gather [hbm4b:s16+s2], $0x8000, $0x38;
	[tilespmem:$0x10000] =	vst v63  }
0x24: {  	_ =	swait.ge [sflag:s10], $0x8000  }
0x25: {  	[sflag:s10] =	ssyncset.done $0x0  }
0x26: {  	s17 =	rddreg [dreg:$0x5];
	[sflag:s10] =	ssyncadd.s32 $0xFFFF8000  }
0x27: {  	[hbm4b:s17+s2] =	stream.linear.scatter [tilespmem:s2], [sflag:$0x3], $0x8000, $0x38;
	[tilespmem:$0x10000] =	vst v63  }
0x28: {  	s16 =	simm.s32 @!p1 $0x0;
	s18 =	rddreg [dreg:$0x6];
	s17 =	simm.s32 @!p1 $0x3  }
0x29: {  	[hbm4b:s18+s16] =	stream.linear.scatter @!p1 [tilespmem:s16], [sflag:$0x5], $0x8000, $0x38;
	[tilespmem:$0x10000] =	vst v63  }
0x2a: {  	_ =	swait.ge @!p1 [sflag:s17], $0x8000  }
0x2b: {  	s18 =	simm.s32 @!p1 $0x5;
	[sflag:s17] =	ssyncset.done @!p1 $0x0  }
0x2c: {  	s18 =	simm.s32 @p1 $0x3;
	[sflag:s17] =	ssyncadd.s32 @!p1 $0xFFFF8000  }
0x2d: {  	_ =	swait.ge [sflag:s18], $0x8000  }
0x2e: {  	[sflag:s18] =	ssyncset.done $0x0  }
0x2f: {  	s19 =	rddreg [dreg:$0x7];
	[sflag:s18] =	ssyncadd.s32 $0xFFFF8000  }
0x30: {  	[tilespmem:s2], [sflag:$0x1] =	stream.linear.gather [hbm4b:s19+s2], $0x8000, $0x38;
	[tilespmem:$0x10000] =	vst v63  }
0x31: {  	_ =	swait.ge [sflag:s13], $0x8000  }
0x32: {  	[sflag:s13] =	ssyncset.done $0x0  }
0x33: {  	s20 =	rddreg [dreg:$0x8];
	[sflag:s13] =	ssyncadd.s32 $0xFFFF8000  }
0x34: {  	[hbm4b:s20+s2] =	stream.linear.scatter [tilespmem:s11], [sflag:$0x4], $0x8000, $0x38;
	[tilespmem:$0x10000] =	vst v63  }
0x35: {  	s0 =	simm.s32 @!p1 $0x8000;
	s21 =	rddreg [dreg:$0x9];
	s20 =	simm.s32 @!p1 $0x4  }
0x36: {  	[hbm4b:s21+s16] =	stream.linear.scatter @!p1 [tilespmem:s0], [sflag:$0x6], $0x8000, $0x38;
	[tilespmem:$0x10000] =	vst v63  }
0x37: {  	_ =	swait.ge @!p1 [sflag:s20], $0x8000  }
0x38: {  	s21 =	simm.s32 @!p1 $0x6;
	[sflag:s20] =	ssyncset.done @!p1 $0x0  }
0x39: {  	s21 =	simm.s32 @p1 $0x4;
	[sflag:s20] =	ssyncadd.s32 @!p1 $0xFFFF8000  }
0x3a: {  	_ =	swait.ge [sflag:s21], $0x8000  }
0x3b: {  	[sflag:s21] =	ssyncset.done $0x0  }
0x3c: {  	s22 =	rddreg [dreg:$0xa];
	[sflag:s21] =	ssyncadd.s32 $0xFFFF8000  }
0x3d: {  	[tilespmem:s11], [sflag:$0x2] =	stream.linear.gather [hbm4b:s22+s2], $0x8000, $0x38;
	[tilespmem:$0x10000] =	vst v63  }
0x3e: {  	_ =	swait.ge [sflag:s10], $0x8000  }
0x3f: {  	[sflag:s10] =	ssyncset.done $0x0  }
0x40: {  	s23 =	rddreg [dreg:$0xb];
	[sflag:s10] =	ssyncadd.s32 $0xFFFF8000  }
0x41: {  	[hbm4b:s23+s2] =	stream.linear.scatter [tilespmem:s2], [sflag:$0x3], $0x8000, $0x38;
	[tilespmem:$0x10000] =	vst v63  }
0x42: {  	s22 =	rddreg [dreg:$0xc]  }
0x43: {  	[hbm4b:s22+s2] =	stream.linear.scatter [tilespmem:s2], [sflag:$0x5], $0x8000, $0x38;
	[tilespmem:$0x10000] =	vst v63  }
0x44: {  	_ =	swait.ge [sflag:s14], $0x8000  }
0x45: {  	[sflag:s14] =	ssyncset.done $0x0  }
0x46: {  	[sflag:s14] =	ssyncadd.s32 $0xFFFF8000  }
0x47: {  	_ =	swait.ge [sflag:s15], $0x8000  }
0x48: {  	[sflag:s15] =	ssyncset.done $0x0  }
0x49: {  	s24 =	rddreg [dreg:$0xd];
	[sflag:s15] =	ssyncadd.s32 $0xFFFF8000  }
0x4a: {  	[tilespmem:s2], [sflag:$0x1] =	stream.linear.gather [hbm4b:s24+s2], $0x8000, $0x38;
	[tilespmem:$0x10000] =	vst v63  }
0x4b: {  	_ =	swait.ge [sflag:s13], $0x8000  }
0x4c: {  	[sflag:s13] =	ssyncset.done $0x0  }
0x4d: {  	s25 =	rddreg [dreg:$0xe];
	[sflag:s13] =	ssyncadd.s32 $0xFFFF8000  }
0x4e: {  	[hbm4b:s25+s2] =	stream.linear.scatter [tilespmem:s11], [sflag:$0x4], $0x8000, $0x38;
	[tilespmem:$0x10000] =	vst v63  }
0x4f: {  	s26 =	rddreg [dreg:$0xf]  }
0x50: {  	[hbm4b:s26+s2] =	stream.linear.scatter [tilespmem:s11], [sflag:$0x6], $0x8000, $0x38;
	[tilespmem:$0x10000] =	vst v63  }
0x51: {  	_ =	swait.ge [sflag:s12], $0x8000  }
0x52: {  	[sflag:s12] =	ssyncset.done $0x0  }
0x53: {  	[sflag:s12] =	ssyncadd.s32 $0xFFFF8000  }
0x54: {  	_ =	swait.ge [sflag:s3], $0x8000  }
0x55: {  	[sflag:s3] =	ssyncset.done $0x0  }
0x56: {  	s19 =	rddreg [dreg:$0x10];
	[sflag:s3] =	ssyncadd.s32 $0xFFFF8000  }
0x57: {  	[tilespmem:s11], [sflag:$0x2] =	stream.linear.gather [hbm4b:s19+s2], $0x8000, $0x38;
	[tilespmem:$0x10000] =	vst v63  }
0x58: {  	_ =	swait.ge [sflag:s10], $0x8000  }
0x59: {  	[sflag:s10] =	ssyncset.done $0x0  }
0x5a: {  	s22 =	rddreg [dreg:$0x11];
	[sflag:s10] =	ssyncadd.s32 $0xFFFF8000  }
0x5b: {  	[hbm4b:s22+s2] =	stream.linear.scatter [tilespmem:s2], [sflag:$0x3], $0x8000, $0x38;
	[tilespmem:$0x10000] =	vst v63  }
0x5c: {  	s23 =	rddreg [dreg:$0x12]  }
0x5d: {  	[hbm4b:s23+s2] =	stream.linear.scatter [tilespmem:s2], [sflag:$0x5], $0x8000, $0x38;
	[tilespmem:$0x10000] =	vst v63  }
0x5e: {  	_ =	swait.ge [sflag:s14], $0x8000  }
0x5f: {  	[sflag:s14] =	ssyncset.done $0x0  }
0x60: {  	[sflag:s14] =	ssyncadd.s32 $0xFFFF8000  }
0x61: {  	_ =	swait.ge [sflag:s15], $0x8000  }
0x62: {  	[sflag:s15] =	ssyncset.done $0x0  }
0x63: {  	s24 =	rddreg [dreg:$0x13];
	[sflag:s15] =	ssyncadd.s32 $0xFFFF8000  }
0x64: {  	[tilespmem:s2], [sflag:$0x1] =	stream.linear.gather [hbm4b:s24+s2], $0x8000, $0x38;
	[tilespmem:$0x10000] =	vst v63  }
0x65: {  	_ =	swait.ge [sflag:s13], $0x8000  }
0x66: {  	[sflag:s13] =	ssyncset.done $0x0  }
0x67: {  	s25 =	rddreg [dreg:$0x14];
	[sflag:s13] =	ssyncadd.s32 $0xFFFF8000  }
0x68: {  	[hbm4b:s25+s2] =	stream.linear.scatter [tilespmem:s11], [sflag:$0x4], $0x8000, $0x38;
	[tilespmem:$0x10000] =	vst v63  }
0x69: {  	s26 =	rddreg [dreg:$0x15]  }
0x6a: {  	[hbm4b:s26+s2] =	stream.linear.scatter [tilespmem:s11], [sflag:$0x6], $0x8000, $0x38;
	[tilespmem:$0x10000] =	vst v63  }
0x6b: {  	_ =	swait.ge [sflag:s12], $0x8000  }
0x6c: {  	[sflag:s12] =	ssyncset.done $0x0  }
0x6d: {  	[sflag:s12] =	ssyncadd.s32 $0xFFFF8000  }
0x6e: {  	_ =	swait.ge [sflag:s3], $0x8000  }
0x6f: {  	[sflag:s3] =	ssyncset.done $0x0  }
0x70: {  	[sflag:s3] =	ssyncadd.s32 $0xFFFF8000  }
0x71: {  	[tilespmem:s11], [sflag:$0x2] =	stream.linear.gather [hbm4b:s9+s2], $0x8000, $0x38;
	[tilespmem:$0x10000] =	vst v63  }
0x72: {  	_ =	swait.ge [sflag:s10], $0x8000  }
0x73: {  	[sflag:s10] =	ssyncset.done $0x0  }
0x74: {  	s22 =	simm.s32 @p0 $0x0;
	s23 =	simm.s32 @p0 $0x2;
	[sflag:s10] =	ssyncadd.s32 $0xFFFF8000  }
0x75: {  	[hbm4b:s6+s22] =	stream.linear.scatter @p0 [tilespmem:s22], [sflag:$0x5], $0x8000, $0x38;
	[tilespmem:$0x10000] =	vst v63  }
0x76: {  	_ =	swait.ge @p0 [sflag:s23], $0x8000  }
0x77: {  	[sflag:s23] =	ssyncset.done @p0 $0x0  }
0x78: {  	s24 =	simm.s32 @p0 $0x8000;
	[sflag:s23] =	ssyncadd.s32 @p0 $0xFFFF8000  }
0x79: {  	[hbm4b:s8+s22] =	stream.linear.scatter @p0 [tilespmem:s24], [sflag:$0x6], $0x8000, $0x38;
	[tilespmem:$0x10000] =	vst v63  }
0x7a: {  	s25 =	simm.s32 @!p0 $0x0  }
0x7b: {  	[hbm4b:s7+s25] =	stream.linear.scatter @!p0 [tilespmem:s25], [sflag:$0x3], $0x8000, $0x38;
	[tilespmem:$0x10000] =	vst v63  }
0x7c: {  	s26 =	simm.s32 @!p0 $0x2  }
0x7d: {  	[hbm4b:s6+s25] =	stream.linear.scatter @!p0 [tilespmem:s25], [sflag:$0x5], $0x8000, $0x38;
	[tilespmem:$0x10000] =	vst v63  }
0x7e: {  	_ =	swait.ge @!p0 [sflag:s26], $0x8000  }
0x7f: {  	[sflag:s26] =	ssyncset.done @!p0 $0x0  }
0x80: {  	s28 =	simm.s32 @!p0 $0x8000;
	[sflag:s26] =	ssyncadd.s32 @!p0 $0xFFFF8000  }
0x81: {  	[hbm4b:s5+s25] =	stream.linear.scatter @!p0 [tilespmem:s28], [sflag:$0x4], $0x8000, $0x38;
	[tilespmem:$0x10000] =	vst v63  }
0x82: {  	s29 =	simm.s32 @!p0 $0x3  }
0x83: {  	[hbm4b:s4+s25] =	stream.linear.scatter @!p0 [tilespmem:s28], [sflag:$0x6], $0x8000, $0x38;
	[tilespmem:$0x10000] =	vst v63  }
0x84: {  	_ =	swait.ge @!p0 [sflag:s29], $0x8000  }
0x85: {  	[sflag:s29] =	ssyncset.done @!p0 $0x0  }
0x86: {  	s30 =	simm.s32 @!p0 $0x5;
	[sflag:s29] =	ssyncadd.s32 @!p0 $0xFFFF8000  }
0x87: {  	_ =	swait.ge @!p0 [sflag:s30], $0x8000  }
0x88: {  	s31 =	simm.s32 @!p0 $0x4;
	s1 =	sadd.s32 $0xFFFFFFFF, s1;
	[sflag:s30] =	ssyncset.done @!p0 $0x0  }
0x89: {  	s31 =	simm.s32 @p0 $0x5;
	p3 =	sne.s32 s1, $0x0;
	[sflag:s30] =	ssyncadd.s32 @!p0 $0xFFFF8000  }
.Ltmp1:
0x8a: {  	_ =	swait.ge [sflag:s31], $0x8000;
	(pc) =	sbr.rel @!p3 .LBB2_2-.Ltmp1, $4  }
0x8b: {  	[sflag:s31] =	ssyncset.done $0x0  }
0x8c: {  	[sflag:s31] =	ssyncadd.s32 $0xFFFF8000  }
0x8d: {  	_ =	swait.ge [sflag:s3], $0x8000  }
0x8e: {  	p2 =	por $0x1, $0x1;
	s0 =	rddreg [dreg:$0x3];
	[sflag:s3] =	ssyncset.done $0x0  }
.LBB2_3:
0x8f: {  	[sflag:s3] =	ssyncadd.s32 $0xFFFF8000  }
0x90: {  	[tilespmem:s2], [sflag:$0x1] =	stream.linear.gather [hbm4b:s0+s2], $0x8000, $0x38;
	[tilespmem:$0x10000] =	vst v63  }
0x91: {  	s19 =	rddreg [dreg:$0x4]  }
0x92: {  	[tilespmem:s11], [sflag:$0x2] =	stream.linear.gather [hbm4b:s19+s2], $0x8000, $0x38;
	[tilespmem:$0x10000] =	vst v63  }
0x93: {  	_ =	swait.ge [sflag:s10], $0x8000  }
0x94: {  	[sflag:s10] =	ssyncset.done $0x0  }
0x95: {  	s0 =	rddreg [dreg:$0x5];
	[sflag:s10] =	ssyncadd.s32 $0xFFFF8000  }
0x96: {  	[hbm4b:s0+s2] =	stream.linear.scatter [tilespmem:s2], [sflag:$0x3], $0x8000, $0x38;
	[tilespmem:$0x10000] =	vst v63  }
0x97: {  	s19 =	rddreg [dreg:$0x6]  }
0x98: {  	[hbm4b:s19+s16] =	stream.linear.scatter @!p1 [tilespmem:s16], [sflag:$0x5], $0x8000, $0x38;
	[tilespmem:$0x10000] =	vst v63  }
0x99: {  	_ =	swait.ge @!p1 [sflag:s17], $0x8000  }
0x9a: {  	[sflag:s17] =	ssyncset.done @!p1 $0x0  }
0x9b: {  	[sflag:s17] =	ssyncadd.s32 @!p1 $0xFFFF8000  }
0x9c: {  	_ =	swait.ge [sflag:s18], $0x8000  }
0x9d: {  	[sflag:s18] =	ssyncset.done $0x0  }
0x9e: {  	s19 =	rddreg [dreg:$0x7];
	[sflag:s18] =	ssyncadd.s32 $0xFFFF8000  }
0x9f: {  	[tilespmem:s2], [sflag:$0x1] =	stream.linear.gather [hbm4b:s19+s2], $0x8000, $0x38;
	[tilespmem:$0x10000] =	vst v63  }
0xa0: {  	_ =	swait.ge [sflag:s13], $0x8000  }
0xa1: {  	[sflag:s13] =	ssyncset.done $0x0  }
0xa2: {  	s0 =	rddreg [dreg:$0x8];
	[sflag:s13] =	ssyncadd.s32 $0xFFFF8000  }
0xa3: {  	[hbm4b:s0+s2] =	stream.linear.scatter [tilespmem:s11], [sflag:$0x4], $0x8000, $0x38;
	[tilespmem:$0x10000] =	vst v63  }
0xa4: {  	s19 =	rddreg [dreg:$0x9];
	s0 =	simm.s32 @!p1 $0x8000  }
0xa5: {  	[hbm4b:s19+s16] =	stream.linear.scatter @!p1 [tilespmem:s0], [sflag:$0x6], $0x8000, $0x38;
	[tilespmem:$0x10000] =	vst v63  }
0xa6: {  	_ =	swait.ge @!p1 [sflag:s20], $0x8000  }
0xa7: {  	[sflag:s20] =	ssyncset.done @!p1 $0x0  }
0xa8: {  	[sflag:s20] =	ssyncadd.s32 @!p1 $0xFFFF8000  }
0xa9: {  	_ =	swait.ge [sflag:s21], $0x8000  }
0xaa: {  	[sflag:s21] =	ssyncset.done $0x0  }
0xab: {  	s19 =	rddreg [dreg:$0xa];
	[sflag:s21] =	ssyncadd.s32 $0xFFFF8000  }
0xac: {  	[tilespmem:s11], [sflag:$0x2] =	stream.linear.gather [hbm4b:s19+s2], $0x8000, $0x38;
	[tilespmem:$0x10000] =	vst v63  }
0xad: {  	_ =	swait.ge [sflag:s10], $0x8000  }
0xae: {  	[sflag:s10] =	ssyncset.done $0x0  }
0xaf: {  	s0 =	rddreg [dreg:$0xb];
	[sflag:s10] =	ssyncadd.s32 $0xFFFF8000  }
0xb0: {  	[hbm4b:s0+s2] =	stream.linear.scatter [tilespmem:s2], [sflag:$0x3], $0x8000, $0x38;
	[tilespmem:$0x10000] =	vst v63  }
0xb1: {  	s19 =	rddreg [dreg:$0xc]  }
0xb2: {  	[hbm4b:s19+s2] =	stream.linear.scatter [tilespmem:s2], [sflag:$0x5], $0x8000, $0x38;
	[tilespmem:$0x10000] =	vst v63  }
0xb3: {  	_ =	swait.ge [sflag:s14], $0x8000  }
0xb4: {  	[sflag:s14] =	ssyncset.done $0x0  }
0xb5: {  	[sflag:s14] =	ssyncadd.s32 $0xFFFF8000  }
0xb6: {  	_ =	swait.ge [sflag:s15], $0x8000  }
0xb7: {  	[sflag:s15] =	ssyncset.done $0x0  }
0xb8: {  	s19 =	rddreg [dreg:$0xd];
	[sflag:s15] =	ssyncadd.s32 $0xFFFF8000  }
0xb9: {  	[tilespmem:s2], [sflag:$0x1] =	stream.linear.gather [hbm4b:s19+s2], $0x8000, $0x38;
	[tilespmem:$0x10000] =	vst v63  }
0xba: {  	_ =	swait.ge [sflag:s13], $0x8000  }
0xbb: {  	[sflag:s13] =	ssyncset.done $0x0  }
0xbc: {  	s0 =	rddreg [dreg:$0xe];
	[sflag:s13] =	ssyncadd.s32 $0xFFFF8000  }
0xbd: {  	[hbm4b:s0+s2] =	stream.linear.scatter [tilespmem:s11], [sflag:$0x4], $0x8000, $0x38;
	[tilespmem:$0x10000] =	vst v63  }
0xbe: {  	s19 =	rddreg [dreg:$0xf]  }
0xbf: {  	[hbm4b:s19+s2] =	stream.linear.scatter [tilespmem:s11], [sflag:$0x6], $0x8000, $0x38;
	[tilespmem:$0x10000] =	vst v63  }
0xc0: {  	_ =	swait.ge [sflag:s12], $0x8000  }
0xc1: {  	[sflag:s12] =	ssyncset.done $0x0  }
0xc2: {  	[sflag:s12] =	ssyncadd.s32 $0xFFFF8000  }
0xc3: {  	_ =	swait.ge [sflag:s3], $0x8000  }
0xc4: {  	[sflag:s3] =	ssyncset.done $0x0  }
0xc5: {  	s19 =	rddreg [dreg:$0x10];
	[sflag:s3] =	ssyncadd.s32 $0xFFFF8000  }
0xc6: {  	[tilespmem:s11], [sflag:$0x2] =	stream.linear.gather [hbm4b:s19+s2], $0x8000, $0x38;
	[tilespmem:$0x10000] =	vst v63  }
0xc7: {  	_ =	swait.ge [sflag:s10], $0x8000  }
0xc8: {  	[sflag:s10] =	ssyncset.done $0x0  }
0xc9: {  	s0 =	rddreg [dreg:$0x11];
	[sflag:s10] =	ssyncadd.s32 $0xFFFF8000  }
0xca: {  	[hbm4b:s0+s2] =	stream.linear.scatter [tilespmem:s2], [sflag:$0x3], $0x8000, $0x38;
	[tilespmem:$0x10000] =	vst v63  }
0xcb: {  	s19 =	rddreg [dreg:$0x12]  }
0xcc: {  	[hbm4b:s19+s2] =	stream.linear.scatter [tilespmem:s2], [sflag:$0x5], $0x8000, $0x38;
	[tilespmem:$0x10000] =	vst v63  }
0xcd: {  	_ =	swait.ge [sflag:s14], $0x8000  }
0xce: {  	[sflag:s14] =	ssyncset.done $0x0  }
0xcf: {  	[sflag:s14] =	ssyncadd.s32 $0xFFFF8000  }
0xd0: {  	_ =	swait.ge [sflag:s15], $0x8000  }
0xd1: {  	[sflag:s15] =	ssyncset.done $0x0  }
0xd2: {  	s19 =	rddreg [dreg:$0x13];
	[sflag:s15] =	ssyncadd.s32 $0xFFFF8000  }
0xd3: {  	[tilespmem:s2], [sflag:$0x1] =	stream.linear.gather [hbm4b:s19+s2], $0x8000, $0x38;
	[tilespmem:$0x10000] =	vst v63  }
0xd4: {  	_ =	swait.ge [sflag:s13], $0x8000  }
0xd5: {  	[sflag:s13] =	ssyncset.done $0x0  }
0xd6: {  	s0 =	rddreg [dreg:$0x14];
	[sflag:s13] =	ssyncadd.s32 $0xFFFF8000  }
0xd7: {  	[hbm4b:s0+s2] =	stream.linear.scatter [tilespmem:s11], [sflag:$0x4], $0x8000, $0x38;
	[tilespmem:$0x10000] =	vst v63  }
0xd8: {  	s19 =	rddreg [dreg:$0x15]  }
0xd9: {  	[hbm4b:s19+s2] =	stream.linear.scatter [tilespmem:s11], [sflag:$0x6], $0x8000, $0x38;
	[tilespmem:$0x10000] =	vst v63  }
0xda: {  	_ =	swait.ge [sflag:s12], $0x8000  }
0xdb: {  	[sflag:s12] =	ssyncset.done $0x0  }
0xdc: {  	[sflag:s12] =	ssyncadd.s32 $0xFFFF8000  }
0xdd: {  	_ =	swait.ge [sflag:s3], $0x8000  }
0xde: {  	[sflag:s3] =	ssyncset.done $0x0  }
0xdf: {  	[sflag:s3] =	ssyncadd.s32 $0xFFFF8000  }
0xe0: {  	[tilespmem:s11], [sflag:$0x2] =	stream.linear.gather [hbm4b:s9+s2], $0x8000, $0x38;
	[tilespmem:$0x10000] =	vst v63  }
0xe1: {  	_ =	swait.ge [sflag:s10], $0x8000  }
0xe2: {  	[sflag:s10] =	ssyncset.done $0x0  }
0xe3: {  	[sflag:s10] =	ssyncadd.s32 $0xFFFF8000  }
0xe4: {  	[hbm4b:s6+s22] =	stream.linear.scatter @p0 [tilespmem:s22], [sflag:$0x5], $0x8000, $0x38;
	[tilespmem:$0x10000] =	vst v63  }
0xe5: {  	_ =	swait.ge @p0 [sflag:s23], $0x8000  }
0xe6: {  	[sflag:s23] =	ssyncset.done @p0 $0x0  }
0xe7: {  	[sflag:s23] =	ssyncadd.s32 @p0 $0xFFFF8000  }
0xe8: {  	[hbm4b:s8+s22] =	stream.linear.scatter @p0 [tilespmem:s24], [sflag:$0x6], $0x8000, $0x38;
	[tilespmem:$0x10000] =	vst v63  }
0xe9: {  	_ = 	snop  }
0xea: {  	[hbm4b:s7+s25] =	stream.linear.scatter @!p0 [tilespmem:s25], [sflag:$0x3], $0x8000, $0x38;
	[tilespmem:$0x10000] =	vst v63  }
0xeb: {  	_ = 	snop  }
0xec: {  	[hbm4b:s6+s25] =	stream.linear.scatter @!p0 [tilespmem:s25], [sflag:$0x5], $0x8000, $0x38;
	[tilespmem:$0x10000] =	vst v63  }
0xed: {  	_ =	swait.ge @!p0 [sflag:s26], $0x8000  }
0xee: {  	[sflag:s26] =	ssyncset.done @!p0 $0x0  }
0xef: {  	[sflag:s26] =	ssyncadd.s32 @!p0 $0xFFFF8000  }
0xf0: {  	[hbm4b:s5+s25] =	stream.linear.scatter @!p0 [tilespmem:s28], [sflag:$0x4], $0x8000, $0x38;
	[tilespmem:$0x10000] =	vst v63  }
0xf1: {  	_ = 	snop  }
0xf2: {  	[hbm4b:s4+s25] =	stream.linear.scatter @!p0 [tilespmem:s28], [sflag:$0x6], $0x8000, $0x38;
	[tilespmem:$0x10000] =	vst v63  }
0xf3: {  	_ =	swait.ge @!p0 [sflag:s29], $0x8000  }
0xf4: {  	[sflag:s29] =	ssyncset.done @!p0 $0x0  }
0xf5: {  	[sflag:s29] =	ssyncadd.s32 @!p0 $0xFFFF8000  }
0xf6: {  	_ =	swait.ge @!p0 [sflag:s30], $0x8000  }
0xf7: {  	s1 =	sadd.s32 $0xFFFFFFFF, s1;
	[sflag:s30] =	ssyncset.done @!p0 $0x0  }
0xf8: {  	p3 =	sne.s32 s1, $0x0;
	[sflag:s30] =	ssyncadd.s32 @!p0 $0xFFFF8000  }
.Ltmp2:
0xf9: {  	_ =	swait.ge [sflag:s31], $0x8000;
	(pc) =	sbr.rel @p3 .LBB2_3-.Ltmp2, $4  }
0xfa: {  	[sflag:s31] =	ssyncset.done $0x0  }
0xfb: {  	[sflag:s31] =	ssyncadd.s32 $0xFFFF8000  }
0xfc: {  	_ =	swait.ge [sflag:s3], $0x8000  }
0xfd: {  	s0 =	rddreg [dreg:$0x3];
	[sflag:s3] =	ssyncset.done $0x0  }
0xfe: {  	s18 =	stileid.u32;
	s19 =	rddreg [dreg:$0x2]  }
.LBB2_5:
0xff: {  	[sflag:s3] =	ssyncadd.s32 @p2 $0xFFFF8000  }
0x100: {  	[tilespmem:s2], [sflag:$0x1] =	stream.linear.gather [hbm4b:s0+s2], $0x8000, $0x38;
	[tilespmem:$0x10000] =	vst v63  }
0x101: {  	s1 =	rddreg [dreg:$0x4]  }
0x102: {  	[tilespmem:s11], [sflag:$0x2] =	stream.linear.gather [hbm4b:s1+s2], $0x8000, $0x38;
	[tilespmem:$0x10000] =	vst v63  }
0x103: {  	_ =	swait.ge [sflag:s10], $0x8000  }
0x104: {  	[sflag:s10] =	ssyncset.done $0x0  }
0x105: {  	s29 =	rddreg [dreg:$0x5];
	[sflag:s10] =	ssyncadd.s32 $0xFFFF8000  }
0x106: {  	[hbm4b:s29+s2] =	stream.linear.scatter [tilespmem:s2], [sflag:$0x3], $0x8000, $0x38;
	[tilespmem:$0x10000] =	vst v63  }
0x107: {  	s16 =	simm.s32 @!p1 $0x3;
	s0 =	simm.s32 @!p1 $0x0;
	s1 =	rddreg [dreg:$0x6]  }
0x108: {  	[hbm4b:s1+s0] =	stream.linear.scatter @!p1 [tilespmem:s0], [sflag:$0x5], $0x8000, $0x38;
	[tilespmem:$0x10000] =	vst v63  }
0x109: {  	_ =	swait.ge @!p1 [sflag:s16], $0x8000  }
0x10a: {  	s1 =	simm.s32 @!p1 $0x5;
	[sflag:s16] =	ssyncset.done @!p1 $0x0  }
0x10b: {  	s1 =	simm.s32 @p1 $0x3;
	[sflag:s16] =	ssyncadd.s32 @!p1 $0xFFFF8000  }
0x10c: {  	_ =	swait.ge [sflag:s1], $0x8000  }
0x10d: {  	[sflag:s1] =	ssyncset.done $0x0  }
0x10e: {  	s30 =	rddreg [dreg:$0x7];
	[sflag:s1] =	ssyncadd.s32 $0xFFFF8000  }
0x10f: {  	[tilespmem:s2], [sflag:$0x1] =	stream.linear.gather [hbm4b:s30+s2], $0x8000, $0x38;
	[tilespmem:$0x10000] =	vst v63  }
0x110: {  	_ =	swait.ge [sflag:s13], $0x8000  }
0x111: {  	[sflag:s13] =	ssyncset.done $0x0  }
0x112: {  	s31 =	rddreg [dreg:$0x8];
	[sflag:s13] =	ssyncadd.s32 $0xFFFF8000  }
0x113: {  	[hbm4b:s31+s2] =	stream.linear.scatter [tilespmem:s11], [sflag:$0x4], $0x8000, $0x38;
	[tilespmem:$0x10000] =	vst v63  }
0x114: {  	s17 =	simm.s32 @!p1 $0x4;
	s1 =	simm.s32 @!p1 $0x8000;
	s16 =	rddreg [dreg:$0x9]  }
0x115: {  	[hbm4b:s16+s0] =	stream.linear.scatter @!p1 [tilespmem:s1], [sflag:$0x6], $0x8000, $0x38;
	[tilespmem:$0x10000] =	vst v63  }
0x116: {  	_ =	swait.ge @!p1 [sflag:s17], $0x8000  }
0x117: {  	s0 =	simm.s32 @!p1 $0x6;
	[sflag:s17] =	ssyncset.done @!p1 $0x0  }
0x118: {  	s0 =	simm.s32 @p1 $0x4;
	[sflag:s17] =	ssyncadd.s32 @!p1 $0xFFFF8000  }
0x119: {  	_ =	swait.ge [sflag:s0], $0x8000  }
0x11a: {  	[sflag:s0] =	ssyncset.done $0x0  }
0x11b: {  	s17 =	rddreg [dreg:$0xa];
	[sflag:s0] =	ssyncadd.s32 $0xFFFF8000  }
0x11c: {  	[tilespmem:s11], [sflag:$0x2] =	stream.linear.gather [hbm4b:s17+s2], $0x8000, $0x38;
	[tilespmem:$0x10000] =	vst v63  }
0x11d: {  	_ =	swait.ge [sflag:s10], $0x8000  }
0x11e: {  	[sflag:s10] =	ssyncset.done $0x0  }
0x11f: {  	s20 =	rddreg [dreg:$0xb];
	[sflag:s10] =	ssyncadd.s32 $0xFFFF8000  }
0x120: {  	[hbm4b:s20+s2] =	stream.linear.scatter [tilespmem:s2], [sflag:$0x3], $0x8000, $0x38;
	[tilespmem:$0x10000] =	vst v63  }
0x121: {  	s21 =	rddreg [dreg:$0xc]  }
0x122: {  	[hbm4b:s21+s2] =	stream.linear.scatter [tilespmem:s2], [sflag:$0x5], $0x8000, $0x38;
	[tilespmem:$0x10000] =	vst v63  }
0x123: {  	_ =	swait.ge [sflag:s14], $0x8000  }
0x124: {  	[sflag:s14] =	ssyncset.done $0x0  }
0x125: {  	[sflag:s14] =	ssyncadd.s32 $0xFFFF8000  }
0x126: {  	_ =	swait.ge [sflag:s15], $0x8000  }
0x127: {  	[sflag:s15] =	ssyncset.done $0x0  }
0x128: {  	s22 =	rddreg [dreg:$0xd];
	[sflag:s15] =	ssyncadd.s32 $0xFFFF8000  }
0x129: {  	[tilespmem:s2], [sflag:$0x1] =	stream.linear.gather [hbm4b:s22+s2], $0x8000, $0x38;
	[tilespmem:$0x10000] =	vst v63  }
0x12a: {  	_ =	swait.ge [sflag:s13], $0x8000  }
0x12b: {  	[sflag:s13] =	ssyncset.done $0x0  }
0x12c: {  	s23 =	rddreg [dreg:$0xe];
	[sflag:s13] =	ssyncadd.s32 $0xFFFF8000  }
0x12d: {  	[hbm4b:s23+s2] =	stream.linear.scatter [tilespmem:s11], [sflag:$0x4], $0x8000, $0x38;
	[tilespmem:$0x10000] =	vst v63  }
0x12e: {  	s24 =	rddreg [dreg:$0xf]  }
0x12f: {  	[hbm4b:s24+s2] =	stream.linear.scatter [tilespmem:s11], [sflag:$0x6], $0x8000, $0x38;
	[tilespmem:$0x10000] =	vst v63  }
0x130: {  	_ =	swait.ge [sflag:s12], $0x8000  }
0x131: {  	[sflag:s12] =	ssyncset.done $0x0  }
0x132: {  	[sflag:s12] =	ssyncadd.s32 $0xFFFF8000  }
0x133: {  	_ =	swait.ge [sflag:s3], $0x8000  }
0x134: {  	[sflag:s3] =	ssyncset.done $0x0  }
0x135: {  	s25 =	rddreg [dreg:$0x10];
	[sflag:s3] =	ssyncadd.s32 $0xFFFF8000  }
0x136: {  	[tilespmem:s11], [sflag:$0x2] =	stream.linear.gather [hbm4b:s25+s2], $0x8000, $0x38;
	[tilespmem:$0x10000] =	vst v63  }
0x137: {  	_ =	swait.ge [sflag:s10], $0x8000  }
0x138: {  	[sflag:s10] =	ssyncset.done $0x0  }
0x139: {  	s26 =	rddreg [dreg:$0x11];
	[sflag:s10] =	ssyncadd.s32 $0xFFFF8000  }
0x13a: {  	[hbm4b:s26+s2] =	stream.linear.scatter [tilespmem:s2], [sflag:$0x3], $0x8000, $0x38;
	[tilespmem:$0x10000] =	vst v63  }
0x13b: {  	s28 =	rddreg [dreg:$0x12]  }
0x13c: {  	[hbm4b:s28+s2] =	stream.linear.scatter [tilespmem:s2], [sflag:$0x5], $0x8000, $0x38;
	[tilespmem:$0x10000] =	vst v63  }
0x13d: {  	_ =	swait.ge [sflag:s14], $0x8000  }
0x13e: {  	[sflag:s14] =	ssyncset.done $0x0  }
0x13f: {  	[sflag:s14] =	ssyncadd.s32 $0xFFFF8000  }
0x140: {  	_ =	swait.ge [sflag:s15], $0x8000  }
0x141: {  	[sflag:s15] =	ssyncset.done $0x0  }
0x142: {  	s29 =	rddreg [dreg:$0x13];
	[sflag:s15] =	ssyncadd.s32 $0xFFFF8000  }
0x143: {  	[tilespmem:s2], [sflag:$0x1] =	stream.linear.gather [hbm4b:s29+s2], $0x8000, $0x38;
	[tilespmem:$0x10000] =	vst v63  }
0x144: {  	_ =	swait.ge [sflag:s13], $0x8000  }
0x145: {  	[sflag:s13] =	ssyncset.done $0x0  }
0x146: {  	s30 =	rddreg [dreg:$0x14];
	[sflag:s13] =	ssyncadd.s32 $0xFFFF8000  }
0x147: {  	[hbm4b:s30+s2] =	stream.linear.scatter [tilespmem:s11], [sflag:$0x4], $0x8000, $0x38;
	[tilespmem:$0x10000] =	vst v63  }
0x148: {  	s31 =	rddreg [dreg:$0x15]  }
0x149: {  	[hbm4b:s31+s2] =	stream.linear.scatter [tilespmem:s11], [sflag:$0x6], $0x8000, $0x38;
	[tilespmem:$0x10000] =	vst v63  }
0x14a: {  	_ =	swait.ge [sflag:s12], $0x8000  }
0x14b: {  	[sflag:s12] =	ssyncset.done $0x0  }
0x14c: {  	[sflag:s12] =	ssyncadd.s32 $0xFFFF8000  }
0x14d: {  	_ =	swait.ge [sflag:s3], $0x8000  }
0x14e: {  	[sflag:s3] =	ssyncset.done $0x0  }
0x14f: {  	[sflag:s3] =	ssyncadd.s32 $0xFFFF8000  }
0x150: {  	[tilespmem:s11], [sflag:$0x2] =	stream.linear.gather [hbm4b:s9+s2], $0x8000, $0x38;
	[tilespmem:$0x10000] =	vst v63  }
0x151: {  	_ =	swait.ge [sflag:s10], $0x8000  }
0x152: {  	[sflag:s10] =	ssyncset.done $0x0  }
0x153: {  	s1 =	simm.s32 @p0 $0x2;
	s0 =	simm.s32 @p0 $0x0;
	[sflag:s10] =	ssyncadd.s32 $0xFFFF8000  }
0x154: {  	[hbm4b:s6+s0] =	stream.linear.scatter @p0 [tilespmem:s0], [sflag:$0x5], $0x8000, $0x38;
	[tilespmem:$0x10000] =	vst v63  }
0x155: {  	_ =	swait.ge @p0 [sflag:s1], $0x8000  }
0x156: {  	[sflag:s1] =	ssyncset.done @p0 $0x0  }
0x157: {  	[sflag:s1] =	ssyncadd.s32 @p0 $0xFFFF8000;
	s1 =	simm.s32 @p0 $0x8000  }
0x158: {  	[hbm4b:s8+s0] =	stream.linear.scatter @p0 [tilespmem:s1], [sflag:$0x6], $0x8000, $0x38;
	[tilespmem:$0x10000] =	vst v63  }
0x159: {  	s0 =	simm.s32 @!p0 $0x0  }
0x15a: {  	[hbm4b:s7+s0] =	stream.linear.scatter @!p0 [tilespmem:s0], [sflag:$0x3], $0x8000, $0x38;
	[tilespmem:$0x10000] =	vst v63  }
0x15b: {  	s1 =	simm.s32 @!p0 $0x2  }
0x15c: {  	[hbm4b:s6+s0] =	stream.linear.scatter @!p0 [tilespmem:s0], [sflag:$0x5], $0x8000, $0x38;
	[tilespmem:$0x10000] =	vst v63  }
0x15d: {  	_ =	swait.ge @!p0 [sflag:s1], $0x8000  }
0x15e: {  	[sflag:s1] =	ssyncset.done @!p0 $0x0  }
0x15f: {  	[sflag:s1] =	ssyncadd.s32 @!p0 $0xFFFF8000;
	s1 =	simm.s32 @!p0 $0x8000  }
0x160: {  	[hbm4b:s5+s0] =	stream.linear.scatter @!p0 [tilespmem:s1], [sflag:$0x4], $0x8000, $0x38;
	[tilespmem:$0x10000] =	vst v63  }
0x161: {  	s2 =	simm.s32 @!p0 $0x3  }
0x162: {  	[hbm4b:s4+s0] =	stream.linear.scatter @!p0 [tilespmem:s1], [sflag:$0x6], $0x8000, $0x38;
	[tilespmem:$0x10000] =	vst v63  }
0x163: {  	_ =	swait.ge @!p0 [sflag:s2], $0x8000  }
0x164: {  	[sflag:s2] =	ssyncset.done @!p0 $0x0  }
0x165: {  	s0 =	simm.s32 @!p0 $0x5;
	[sflag:s2] =	ssyncadd.s32 @!p0 $0xFFFF8000  }
0x166: {  	_ =	swait.ge @!p0 [sflag:s0], $0x8000  }
0x167: {  	s1 =	simm.s32 @!p0 $0x4;
	[sflag:s0] =	ssyncset.done @!p0 $0x0  }
0x168: {  	s1 =	simm.s32 @p0 $0x5;
	[sflag:s0] =	ssyncadd.s32 @!p0 $0xFFFF8000  }
0x169: {  	_ =	swait.ge [sflag:s1], $0x8000  }
0x16a: {  	[sflag:s1] =	ssyncset.done $0x0  }
0x16b: {  	[sflag:s1] =	ssyncadd.s32 $0xFFFF8000  }
0x16c: {  	_ =	swait.ge [sflag:s3], $0x8000  }
0x16d: {  	[sflag:s3] =	ssyncset.done $0x0  }
0x16e: {  	[sflag:s3] =	ssyncadd.s32 $0xFFFF8000  }
0x16f: {  	_ =	sfence.sel $0x180000  }
0x170: {  	[bflag:$0x0] =	sbarrier.arrive $0xFFFF  }
0x171: {  	p0 =	sne.s32 s18, $0x0;
	_ =	strace $0x90000047  }
0x172: {  	s0 =	sadd.s32 @!p0 $0x100000, s19;
	[bflag:$0x2] =	sbarrier.arrive $0xFFFF  }
0x173: {  	[sflag:s0] =	ssyncadd.tile.s32 @!p0 $0x1;
	_ =	shalt  }
.LBB2_2:
.Ltmp3:
0x174: {  	(pc) =	sbr.rel .LBB2_5-.Ltmp3, $2  }
0x175: {  	_ =	sdelay $0x2  }
0x176: {  	s18 =	stileid.u32;
	s19 =	rddreg [dreg:$0x2]  }
.Lfunc_end2:
_tile_overlayer_lowered:
.L_overlay_start_2:
0x177: {  	(tag) =	ssettag $0x2  }
0x178: {  	s0 =	rddreg [dreg:$0x0];
	s2 =	stileid.u32  }
0x179: {  	s1 =	rddreg [dreg:$0x1];
	p0 =	sne.s32 s2, $0x0  }
0x17a: {  	s3 =	rddreg [dreg:$0x2];
	[bflag:$0x3] =	sbarrier.arrive $0xFFFF;
	s2 =	simm.s32 @!p0 $0x1C07  }
0x17b: {  	[timem:s3], [sflag:s2] =	dma.local @!p0 [hbm:s0], s1  }
0x17c: {  	s0 =	simm.s32 @!p0 $0x7  }
0x17d: {  	_ =	swait.ge @!p0 [sflag:s0], s1  }
0x17e: {  	s1 =	ssub.s32 @!p0 $0x0, s1;
	[sflag:s0] =	ssyncset.done @!p0 $0x0  }
0x17f: {  	[sflag:s0] =	ssyncadd.s32 @!p0 s1  }
0x180: {  	[bflag:$0x3] =	sbarrier.arrive $0xFFFF  }
0x181: {  	_ =	shalt  }

</sc_bundles>
